<compile_context>
chip_gen: v7x
topology: tpu7x:2x2x1
jax: 0.10.2.dev20260603
libtpu: 0.0.44.dev20260713+nightly
codegen_flags: <defaults>
</compile_context>

<pallas_src>
import functools

import jax
import jax.numpy as jnp
from jax import lax
from jax.experimental import pallas as pl
from jax.experimental.pallas import tpu as pltpu
from jax.experimental.pallas import tpu_sc as plsc

D_KQ = 128
D_VAL = 128
N_MEM = 100000
BQ, TQ = 8, 64
NQROWS = BQ * TQ
K_TOP = 32
TEMP = 0.1

BLK_M = 2048
N_MEM_PAD = 100352
N_BLOCKS = N_MEM_PAD // BLK_M
N_PAR = 8
G_LANES = 128
N_GROUPS = N_PAR * G_LANES
N_SEL = 48
N_A = 7
MEMB = N_A * 16
CWIDTH = N_SEL * MEMB
PAD_COL = N_MEM_PAD - 1

NC, NS, L = 2, 16, 16
NW = NC * NS
ROWS_PER_W = NQROWS // NW
IDX_CHUNK = 128
N_IDX_CHUNKS = CWIDTH // IDX_CHUNK


def _k1_body(nq_ref, keys_ref, scores_ref, gmax_ref):
    j = pl.program_id(0)
    nk = keys_ref[...]
    s = jax.lax.dot_general(
        nq_ref[...], nk,
        dimension_numbers=(((1,), (1,)), ((), ())),
        preferred_element_type=jnp.float32,
    )
    col = j * BLK_M + jax.lax.broadcasted_iota(jnp.int32, s.shape, 1)
    s = jnp.where(col < N_MEM, s, -2.0)
    scores_ref[...] = s
    bmax = jnp.max(s.reshape(NQROWS, BLK_M // G_LANES, G_LANES), axis=1)
    half = (j % N_PAR) * G_LANES
    old = gmax_ref[:, pl.ds(half, G_LANES)]
    acc = jnp.where(j < N_PAR, bmax, jnp.maximum(old, bmax))
    gmax_ref[:, pl.ds(half, G_LANES)] = acc


def _k1(nq, keys_pad):
    return pl.pallas_call(
        _k1_body,
        grid=(N_BLOCKS,),
        in_specs=[
            pl.BlockSpec((NQROWS, D_KQ), lambda j: (0, 0)),
            pl.BlockSpec((BLK_M, D_KQ), lambda j: (j, 0)),
        ],
        out_specs=[
            pl.BlockSpec((NQROWS, BLK_M), lambda j: (0, j)),
            pl.BlockSpec((NQROWS, N_GROUPS), lambda j: (0, 0)),
        ],
        out_shape=[
            jax.ShapeDtypeStruct((NQROWS, N_MEM_PAD), jnp.float32),
            jax.ShapeDtypeStruct((NQROWS, N_GROUPS), jnp.float32),
        ],
        compiler_params=pltpu.CompilerParams(
            dimension_semantics=("arbitrary",),
        ),
    )(nq, keys_pad)


@functools.lru_cache(maxsize=1)
def _k3_make():
    mesh = plsc.VectorSubcoreMesh(core_axis_name="c", subcore_axis_name="s")

    @functools.partial(
        pl.kernel,
        mesh=mesh,
        out_type=jax.ShapeDtypeStruct((NQROWS, CWIDTH), jnp.float32),
        scratch_types=[
            pltpu.VMEM((CWIDTH,), jnp.int32),
            pltpu.VMEM((CWIDTH,), jnp.float32),
            pltpu.SemaphoreType.DMA,
        ],
    )
    def k3(scores_hbm, cols_hbm, cand_out, idxb, candb, sem):
        wid = lax.axis_index("s") * NC + lax.axis_index("c")

        def row_body(r, _):
            row = wid * ROWS_PER_W + r
            pltpu.sync_copy(cols_hbm.at[row], idxb)
            handles = []
            for k in range(N_IDX_CHUNKS):
                sl = pl.ds(k * IDX_CHUNK, IDX_CHUNK)
                handles.append(pltpu.async_copy(
                    scores_hbm.at[idxb.at[sl]], candb.at[sl], sem))
            for h in handles:
                h.wait()
            pltpu.sync_copy(candb, cand_out.at[row])
            return 0

        lax.fori_loop(0, ROWS_PER_W, row_body, 0)

    return k3


def _k3(scores_flat, colsmat):
    return _k3_make()(scores_flat, colsmat)


def kernel(queries, keys, values):
    b, t, d_k = queries.shape
    flat_q = queries.reshape(b * t, d_k)
    nq = flat_q / jnp.maximum(
        jnp.linalg.norm(flat_q, axis=-1, keepdims=True), 1e-12)
    nk = keys / jnp.maximum(
        jnp.linalg.norm(keys, axis=-1, keepdims=True), 1e-12)
    keys_pad = jnp.pad(nk, ((0, N_MEM_PAD - N_MEM), (0, 0)))
    scores, gmax = _k1(nq, keys_pad)

    _, gid = jax.lax.top_k(gmax, N_SEL)

    p = gid // G_LANES
    c = gid % G_LANES
    a = jnp.arange(N_A, dtype=jnp.int32)[:, None]
    i = jnp.arange(16, dtype=jnp.int32)[None, :]
    off = (N_PAR * BLK_M) * a + G_LANES * i
    col = (BLK_M * p + c)[..., None, None] + off[None, None]
    valid = (p[..., None, None] == 0) | (a[None, None] < N_A - 1)
    col = jnp.where(valid, col, PAD_COL)
    rowbase = jnp.arange(NQROWS, dtype=jnp.int32)[:, None] * N_MEM_PAD
    colsmat = (col.reshape(NQROWS, CWIDTH) + rowbase).astype(jnp.int32)

    scores_flat = scores.reshape(NQROWS * N_MEM_PAD)
    cand = _k3(scores_flat, colsmat)

    N_PRE = 40
    pre_vals, pos = jax.lax.top_k(cand, N_PRE)
    slot = pos // MEMB
    m = pos % MEMB
    a_s = m // 16
    i_s = m % 16
    sel = jnp.arange(N_SEL, dtype=jnp.int32)[None, None, :] == slot[..., None]
    gsel = jnp.sum(jnp.where(sel, gid[:, None, :], 0), axis=-1)
    pre_idx = ((N_PAR * BLK_M) * a_s + BLK_M * (gsel // G_LANES)
               + G_LANES * i_s + gsel % G_LANES)
    vi = pre_vals[:, :, None]
    vj = pre_vals[:, None, :]
    ci = pre_idx[:, :, None]
    cj = pre_idx[:, None, :]
    beats = (vj > vi) | ((vj == vi) & (cj < ci))
    rank = jnp.sum(beats.astype(jnp.int32), axis=-1)
    oh = rank[:, None, :] == jnp.arange(K_TOP,
                                        dtype=jnp.int32)[None, :, None]
    top_vals = jnp.sum(jnp.where(oh, vi.transpose(0, 2, 1), 0.0), axis=-1)
    top_idx = jnp.sum(jnp.where(oh, ci.transpose(0, 2, 1), 0), axis=-1)

    attn = jax.nn.softmax(top_vals / TEMP, axis=-1)
    retrieved = values[top_idx]
    agg = jnp.sum(attn[..., None] * retrieved, axis=-2)
    return (agg.reshape(b, t, D_VAL),
            attn.reshape(b, t, K_TOP),
            top_idx.reshape(b, t, K_TOP))

# --- scband reference (transcript-rebuilt; emitter-appended) ---
"""Pipeline reference for scband-epistemic-memory-7919919694526 (READ-ONLY COPY).

The authoritative reference and input builder live on the scoring server;
editing this copy changes nothing except your own understanding.
"""

import jax, jax.numpy as jnp
import numpy as np

D_K = 128
D_V = 128
MEM = 100000
B, T = 8, 64
TOPK = 32
TEMP = 0.1


def setup_inputs(seed: int = 0) -> dict:
    key = jax.random.key(seed)
    k1, k2, k3 = jax.random.split(key, 3)
    queries = jax.random.normal(k1, (B, T, D_K), dtype=jnp.float32)
    keys = jax.random.normal(k2, (MEM, D_K), dtype=jnp.float32)
    values = jax.random.normal(k3, (MEM, D_V), dtype=jnp.float32)
    return {"queries": queries, "keys": keys, "values": values}


def _normalize(x, axis=-1, eps=1e-12):
    n = jnp.linalg.norm(x, axis=axis, keepdims=True)
    return x / jnp.maximum(n, eps)


def reference(queries, keys, values):
    b, t, d_k = queries.shape
    flat_q = queries.reshape(b * t, d_k)
    nq = _normalize(flat_q)
    nk = _normalize(keys)
    scores = nq @ nk.T                                  # (B*T, MEM)
    topk_scores, topk_idx = jax.lax.top_k(scores, TOPK)  # (B*T, K)
    attn = jax.nn.softmax(topk_scores / TEMP, axis=-1)
    retrieved = values[topk_idx]                        # (B*T, K, d_v) gather
    agg = jnp.sum(attn[..., None] * retrieved, axis=-2)
    return (agg.reshape(b, t, D_V),
            attn.reshape(b, t, TOPK),
            topk_idx.reshape(b, t, TOPK))

if __name__ == "__main__":
    import jax
    _d = setup_inputs()
    print(jax.jit(kernel)(*tuple(_d.values())))

</pallas_src>

<mosaic_0001>
#map = affine_map<(d0, d1) -> (0)>
#map1 = affine_map<(d0, d1) -> (0, 0)>
module attributes {stable_mosaic.version = 14 : i64} {
  func.func @k3(%arg0: i32, %arg1: i32, %arg2: memref<51380224xf32, #tpu.memory_space<hbm>>, %arg3: memref<512x5376xi32, #tpu.memory_space<hbm>>, %arg4: memref<512x5376xf32, #tpu.memory_space<hbm>>, %arg5: memref<5376xi32, #tpu.memory_space<vmem>>, %arg6: memref<5376xf32, #tpu.memory_space<vmem>>, %arg7: memref<!tpu.dma_semaphore, #tpu.memory_space<semaphore_mem>>) attributes {dimension_semantics = [#tpu.dimension_semantics<core_parallel>, #tpu.dimension_semantics<subcore_parallel>], iteration_bounds = array<i64: 2, 16>, scalar_prefetch = 0 : i64, scratch_operands = 3 : i64, tpu.core_type = #tpu.core_type<sc_vector_subcore>, window_params = [{transform_indices = #map}, {transform_indices = #map1}, {transform_indices = #map1}]} {
    %mul3A = arith.constant 2 : i32
    %mul3A_0 = arith.muli %arg1, %mul3A : i32
    %add3A = arith.addi %mul3A_0, %arg0 : i32
    %scan3A = arith.constant 0 : i32
    %scan3A_1 = arith.constant 0 : i32
    %scan3A_2 = arith.constant 16 : i32
    %scan3A_3 = arith.addi %scan3A_1, %scan3A_2 : i32
    %scan3A_4 = arith.constant 1 : i32
    %scan3A_5 = scf.for %scan3A_7 = %scan3A_1 to %scan3A_3 step %scan3A_4 iter_args(%scan3A_8 = %scan3A) -> (i32)  : i32 {
      %mul3A_9 = arith.constant 16 : i32
      %mul3A_10 = arith.muli %add3A, %mul3A_9 : i32
      %add3A_11 = arith.addi %mul3A_10, %scan3A_7 : i32
      "tpu.region"() ({
        %run_scoped3A = tpu.sem_alloc : memref<!tpu.dma_semaphore, #tpu.memory_space<semaphore_mem>>
        %dma_start3A_515 = arith.constant 0 : i32
        %dma_start3A_516 = tpu.memref_slice %arg3[%add3A_11, %dma_start3A_515] : memref<512x5376xi32, #tpu.memory_space<hbm>> -> memref<1x5376xi32, #tpu.memory_space<hbm>>
        %dma_start3A_517 = tpu.memref_squeeze %dma_start3A_516 : memref<1x5376xi32, #tpu.memory_space<hbm>> -> memref<5376xi32, #tpu.memory_space<hbm>>
        %dma_start3A_518 = arith.constant 0 : i32
        %dma_start3A_519 = tpu.memref_slice %arg3[%add3A_11, %dma_start3A_518] : memref<512x5376xi32, #tpu.memory_space<hbm>> -> memref<1x5376xi32, #tpu.memory_space<hbm>>
        %dma_start3A_520 = tpu.memref_squeeze %dma_start3A_519 : memref<1x5376xi32, #tpu.memory_space<hbm>> -> memref<5376xi32, #tpu.memory_space<hbm>>
        tpu.enqueue_dma source(%dma_start3A_520 : memref<5376xi32, #tpu.memory_space<hbm>>) target(%arg5 : memref<5376xi32, #tpu.memory_space<vmem>>) target_semaphore(%run_scoped3A : memref<!tpu.dma_semaphore, #tpu.memory_space<semaphore_mem>>)
        %dma_wait3A_521 = arith.constant 0 : i32
        %dma_wait3A_522 = tpu.memref_slice %arg3[%add3A_11, %dma_wait3A_521] : memref<512x5376xi32, #tpu.memory_space<hbm>> -> memref<1x5376xi32, #tpu.memory_space<hbm>>
        %dma_wait3A_523 = tpu.memref_squeeze %dma_wait3A_522 : memref<1x5376xi32, #tpu.memory_space<hbm>> -> memref<5376xi32, #tpu.memory_space<hbm>>
        %dma_wait3A_524 = arith.constant 0 : i32
        %dma_wait3A_525 = tpu.memref_slice %arg3[%add3A_11, %dma_wait3A_524] : memref<512x5376xi32, #tpu.memory_space<hbm>> -> memref<1x5376xi32, #tpu.memory_space<hbm>>
        %dma_wait3A_526 = tpu.memref_squeeze %dma_wait3A_525 : memref<1x5376xi32, #tpu.memory_space<hbm>> -> memref<5376xi32, #tpu.memory_space<hbm>>
        tpu.wait_dma2 semaphore(%run_scoped3A : memref<!tpu.dma_semaphore, #tpu.memory_space<semaphore_mem>>) src(%dma_wait3A_526 : memref<5376xi32, #tpu.memory_space<hbm>>) dst(%arg5 : memref<5376xi32, #tpu.memory_space<vmem>>)
        tpu.yield
      }) : () -> ()
      %dma_start3A = arith.constant 0 : i32
      %dma_start3A_12 = tpu.memref_slice %arg6[%dma_start3A] : memref<5376xf32, #tpu.memory_space<vmem>> -> memref<128xf32, #tpu.memory_space<vmem>>
      %dma_start3A_13 = arith.constant 0 : i32
      %dma_start3A_14 = tpu.memref_slice %arg5[%dma_start3A_13] : memref<5376xi32, #tpu.memory_space<vmem>> -> memref<128xi32, #tpu.memory_space<vmem>>
      %dma_start3A_15 = arith.constant 0 : i32
      %dma_start3A_16 = tpu.memref_slice %arg2[%dma_start3A_15] : memref<51380224xf32, #tpu.memory_space<hbm>> -> memref<51380224xf32, #tpu.memory_space<hbm>>
      tpu.enqueue_indirect_dma source(%dma_start3A_16 : memref<51380224xf32, #tpu.memory_space<hbm>>) target(%dma_start3A_12 : memref<128xf32, #tpu.memory_space<vmem>>) offsets(%dma_start3A_14 : memref<128xi32, #tpu.memory_space<vmem>>) semaphore(%arg7 : memref<!tpu.dma_semaphore, #tpu.memory_space<semaphore_mem>>)
      %dma_start3A_17 = arith.constant 128 : i32
      %dma_start3A_18 = tpu.memref_slice %arg6[%dma_start3A_17] : memref<5376xf32, #tpu.memory_space<vmem>> -> memref<128xf32, #tpu.memory_space<vmem>>
      %dma_start3A_19 = arith.constant 128 : i32
      %dma_start3A_20 = tpu.memref_slice %arg5[%dma_start3A_19] : memref<5376xi32, #tpu.memory_space<vmem>> -> memref<128xi32, #tpu.memory_space<vmem>>
      %dma_start3A_21 = arith.constant 0 : i32
      %dma_start3A_22 = tpu.memref_slice %arg2[%dma_start3A_21] : memref<51380224xf32, #tpu.memory_space<hbm>> -> memref<51380224xf32, #tpu.memory_space<hbm>>
      tpu.enqueue_indirect_dma source(%dma_start3A_22 : memref<51380224xf32, #tpu.memory_space<hbm>>) target(%dma_start3A_18 : memref<128xf32, #tpu.memory_space<vmem>>) offsets(%dma_start3A_20 : memref<128xi32, #tpu.memory_space<vmem>>) semaphore(%arg7 : memref<!tpu.dma_semaphore, #tpu.memory_space<semaphore_mem>>)
      %dma_start3A_23 = arith.constant 256 : i32
      %dma_start3A_24 = tpu.memref_slice %arg6[%dma_start3A_23] : memref<5376xf32, #tpu.memory_space<vmem>> -> memref<128xf32, #tpu.memory_space<vmem>>
      %dma_start3A_25 = arith.constant 256 : i32
      %dma_start3A_26 = tpu.memref_slice %arg5[%dma_start3A_25] : memref<5376xi32, #tpu.memory_space<vmem>> -> memref<128xi32, #tpu.memory_space<vmem>>
      %dma_start3A_27 = arith.constant 0 : i32
      %dma_start3A_28 = tpu.memref_slice %arg2[%dma_start3A_27] : memref<51380224xf32, #tpu.memory_space<hbm>> -> memref<51380224xf32, #tpu.memory_space<hbm>>
      tpu.enqueue_indirect_dma source(%dma_start3A_28 : memref<51380224xf32, #tpu.memory_space<hbm>>) target(%dma_start3A_24 : memref<128xf32, #tpu.memory_space<vmem>>) offsets(%dma_start3A_26 : memref<128xi32, #tpu.memory_space<vmem>>) semaphore(%arg7 : memref<!tpu.dma_semaphore, #tpu.memory_space<semaphore_mem>>)
      %dma_start3A_29 = arith.constant 384 : i32
      %dma_start3A_30 = tpu.memref_slice %arg6[%dma_start3A_29] : memref<5376xf32, #tpu.memory_space<vmem>> -> memref<128xf32, #tpu.memory_space<vmem>>
      %dma_start3A_31 = arith.constant 384 : i32
      %dma_start3A_32 = tpu.memref_slice %arg5[%dma_start3A_31] : memref<5376xi32, #tpu.memory_space<vmem>> -> memref<128xi32, #tpu.memory_space<vmem>>
      %dma_start3A_33 = arith.constant 0 : i32
      %dma_start3A_34 = tpu.memref_slice %arg2[%dma_start3A_33] : memref<51380224xf32, #tpu.memory_space<hbm>> -> memref<51380224xf32, #tpu.memory_space<hbm>>
      tpu.enqueue_indirect_dma source(%dma_start3A_34 : memref<51380224xf32, #tpu.memory_space<hbm>>) target(%dma_start3A_30 : memref<128xf32, #tpu.memory_space<vmem>>) offsets(%dma_start3A_32 : memref<128xi32, #tpu.memory_space<vmem>>) semaphore(%arg7 : memref<!tpu.dma_semaphore, #tpu.memory_space<semaphore_mem>>)
      %dma_start3A_35 = arith.constant 512 : i32
      %dma_start3A_36 = tpu.memref_slice %arg6[%dma_start3A_35] : memref<5376xf32, #tpu.memory_space<vmem>> -> memref<128xf32, #tpu.memory_space<vmem>>
      %dma_start3A_37 = arith.constant 512 : i32
      %dma_start3A_38 = tpu.memref_slice %arg5[%dma_start3A_37] : memref<5376xi32, #tpu.memory_space<vmem>> -> memref<128xi32, #tpu.memory_space<vmem>>
      %dma_start3A_39 = arith.constant 0 : i32
      %dma_start3A_40 = tpu.memref_slice %arg2[%dma_start3A_39] : memref<51380224xf32, #tpu.memory_space<hbm>> -> memref<51380224xf32, #tpu.memory_space<hbm>>
      tpu.enqueue_indirect_dma source(%dma_start3A_40 : memref<51380224xf32, #tpu.memory_space<hbm>>) target(%dma_start3A_36 : memref<128xf32, #tpu.memory_space<vmem>>) offsets(%dma_start3A_38 : memref<128xi32, #tpu.memory_space<vmem>>) semaphore(%arg7 : memref<!tpu.dma_semaphore, #tpu.memory_space<semaphore_mem>>)
      %dma_start3A_41 = arith.constant 640 : i32
      %dma_start3A_42 = tpu.memref_slice %arg6[%dma_start3A_41] : memref<5376xf32, #tpu.memory_space<vmem>> -> memref<128xf32, #tpu.memory_space<vmem>>
      %dma_start3A_43 = arith.constant 640 : i32
      %dma_start3A_44 = tpu.memref_slice %arg5[%dma_start3A_43] : memref<5376xi32, #tpu.memory_space<vmem>> -> memref<128xi32, #tpu.memory_space<vmem>>
      %dma_start3A_45 = arith.constant 0 : i32
      %dma_start3A_46 = tpu.memref_slice %arg2[%dma_start3A_45] : memref<51380224xf32, #tpu.memory_space<hbm>> -> memref<51380224xf32, #tpu.memory_space<hbm>>
      tpu.enqueue_indirect_dma source(%dma_start3A_46 : memref<51380224xf32, #tpu.memory_space<hbm>>) target(%dma_start3A_42 : memref<128xf32, #tpu.memory_space<vmem>>) offsets(%dma_start3A_44 : memref<128xi32, #tpu.memory_space<vmem>>) semaphore(%arg7 : memref<!tpu.dma_semaphore, #tpu.memory_space<semaphore_mem>>)
      %dma_start3A_47 = arith.constant 768 : i32
      %dma_start3A_48 = tpu.memref_slice %arg6[%dma_start3A_47] : memref<5376xf32, #tpu.memory_space<vmem>> -> memref<128xf32, #tpu.memory_space<vmem>>
      %dma_start3A_49 = arith.constant 768 : i32
      %dma_start3A_50 = tpu.memref_slice %arg5[%dma_start3A_49] : memref<5376xi32, #tpu.memory_space<vmem>> -> memref<128xi32, #tpu.memory_space<vmem>>
      %dma_start3A_51 = arith.constant 0 : i32
      %dma_start3A_52 = tpu.memref_slice %arg2[%dma_start3A_51] : memref<51380224xf32, #tpu.memory_space<hbm>> -> memref<51380224xf32, #tpu.memory_space<hbm>>
      tpu.enqueue_indirect_dma source(%dma_start3A_52 : memref<51380224xf32, #tpu.memory_space<hbm>>) target(%dma_start3A_48 : memref<128xf32, #tpu.memory_space<vmem>>) offsets(%dma_start3A_50 : memref<128xi32, #tpu.memory_space<vmem>>) semaphore(%arg7 : memref<!tpu.dma_semaphore, #tpu.memory_space<semaphore_mem>>)
      %dma_start3A_53 = arith.constant 896 : i32
      %dma_start3A_54 = tpu.memref_slice %arg6[%dma_start3A_53] : memref<5376xf32, #tpu.memory_space<vmem>> -> memref<128xf32, #tpu.memory_space<vmem>>
      %dma_start3A_55 = arith.constant 896 : i32
      %dma_start3A_56 = tpu.memref_slice %arg5[%dma_start3A_55] : memref<5376xi32, #tpu.memory_space<vmem>> -> memref<128xi32, #tpu.memory_space<vmem>>
      %dma_start3A_57 = arith.constant 0 : i32
      %dma_start3A_58 = tpu.memref_slice %arg2[%dma_start3A_57] : memref<51380224xf32, #tpu.memory_space<hbm>> -> memref<51380224xf32, #tpu.memory_space<hbm>>
      tpu.enqueue_indirect_dma source(%dma_start3A_58 : memref<51380224xf32, #tpu.memory_space<hbm>>) target(%dma_start3A_54 : memref<128xf32, #tpu.memory_space<vmem>>) offsets(%dma_start3A_56 : memref<128xi32, #tpu.memory_space<vmem>>) semaphore(%arg7 : memref<!tpu.dma_semaphore, #tpu.memory_space<semaphore_mem>>)
      %dma_start3A_59 = arith.constant 1024 : i32
      %dma_start3A_60 = tpu.memref_slice %arg6[%dma_start3A_59] : memref<5376xf32, #tpu.memory_space<vmem>> -> memref<128xf32, #tpu.memory_space<vmem>>
      %dma_start3A_61 = arith.constant 1024 : i32
      %dma_start3A_62 = tpu.memref_slice %arg5[%dma_start3A_61] : memref<5376xi32, #tpu.memory_space<vmem>> -> memref<128xi32, #tpu.memory_space<vmem>>
      %dma_start3A_63 = arith.constant 0 : i32
      %dma_start3A_64 = tpu.memref_slice %arg2[%dma_start3A_63] : memref<51380224xf32, #tpu.memory_space<hbm>> -> memref<51380224xf32, #tpu.memory_space<hbm>>
      tpu.enqueue_indirect_dma source(%dma_start3A_64 : memref<51380224xf32, #tpu.memory_space<hbm>>) target(%dma_start3A_60 : memref<128xf32, #tpu.memory_space<vmem>>) offsets(%dma_start3A_62 : memref<128xi32, #tpu.memory_space<vmem>>) semaphore(%arg7 : memref<!tpu.dma_semaphore, #tpu.memory_space<semaphore_mem>>)
      %dma_start3A_65 = arith.constant 1152 : i32
      %dma_start3A_66 = tpu.memref_slice %arg6[%dma_start3A_65] : memref<5376xf32, #tpu.memory_space<vmem>> -> memref<128xf32, #tpu.memory_space<vmem>>
      %dma_start3A_67 = arith.constant 1152 : i32
      %dma_start3A_68 = tpu.memref_slice %arg5[%dma_start3A_67] : memref<5376xi32, #tpu.memory_space<vmem>> -> memref<128xi32, #tpu.memory_space<vmem>>
      %dma_start3A_69 = arith.constant 0 : i32
      %dma_start3A_70 = tpu.memref_slice %arg2[%dma_start3A_69] : memref<51380224xf32, #tpu.memory_space<hbm>> -> memref<51380224xf32, #tpu.memory_space<hbm>>
      tpu.enqueue_indirect_dma source(%dma_start3A_70 : memref<51380224xf32, #tpu.memory_space<hbm>>) target(%dma_start3A_66 : memref<128xf32, #tpu.memory_space<vmem>>) offsets(%dma_start3A_68 : memref<128xi32, #tpu.memory_space<vmem>>) semaphore(%arg7 : memref<!tpu.dma_semaphore, #tpu.memory_space<semaphore_mem>>)
      %dma_start3A_71 = arith.constant 1280 : i32
      %dma_start3A_72 = tpu.memref_slice %arg6[%dma_start3A_71] : memref<5376xf32, #tpu.memory_space<vmem>> -> memref<128xf32, #tpu.memory_space<vmem>>
      %dma_start3A_73 = arith.constant 1280 : i32
      %dma_start3A_74 = tpu.memref_slice %arg5[%dma_start3A_73] : memref<5376xi32, #tpu.memory_space<vmem>> -> memref<128xi32, #tpu.memory_space<vmem>>
      %dma_start3A_75 = arith.constant 0 : i32
      %dma_start3A_76 = tpu.memref_slice %arg2[%dma_start3A_75] : memref<51380224xf32, #tpu.memory_space<hbm>> -> memref<51380224xf32, #tpu.memory_space<hbm>>
      tpu.enqueue_indirect_dma source(%dma_start3A_76 : memref<51380224xf32, #tpu.memory_space<hbm>>) target(%dma_start3A_72 : memref<128xf32, #tpu.memory_space<vmem>>) offsets(%dma_start3A_74 : memref<128xi32, #tpu.memory_space<vmem>>) semaphore(%arg7 : memref<!tpu.dma_semaphore, #tpu.memory_space<semaphore_mem>>)
      %dma_start3A_77 = arith.constant 1408 : i32
      %dma_start3A_78 = tpu.memref_slice %arg6[%dma_start3A_77] : memref<5376xf32, #tpu.memory_space<vmem>> -> memref<128xf32, #tpu.memory_space<vmem>>
      %dma_start3A_79 = arith.constant 1408 : i32
      %dma_start3A_80 = tpu.memref_slice %arg5[%dma_start3A_79] : memref<5376xi32, #tpu.memory_space<vmem>> -> memref<128xi32, #tpu.memory_space<vmem>>
      %dma_start3A_81 = arith.constant 0 : i32
      %dma_start3A_82 = tpu.memref_slice %arg2[%dma_start3A_81] : memref<51380224xf32, #tpu.memory_space<hbm>> -> memref<51380224xf32, #tpu.memory_space<hbm>>
      tpu.enqueue_indirect_dma source(%dma_start3A_82 : memref<51380224xf32, #tpu.memory_space<hbm>>) target(%dma_start3A_78 : memref<128xf32, #tpu.memory_space<vmem>>) offsets(%dma_start3A_80 : memref<128xi32, #tpu.memory_space<vmem>>) semaphore(%arg7 : memref<!tpu.dma_semaphore, #tpu.memory_space<semaphore_mem>>)
      %dma_start3A_83 = arith.constant 1536 : i32
      %dma_start3A_84 = tpu.memref_slice %arg6[%dma_start3A_83] : memref<5376xf32, #tpu.memory_space<vmem>> -> memref<128xf32, #tpu.memory_space<vmem>>
      %dma_start3A_85 = arith.constant 1536 : i32
      %dma_start3A_86 = tpu.memref_slice %arg5[%dma_start3A_85] : memref<5376xi32, #tpu.memory_space<vmem>> -> memref<128xi32, #tpu.memory_space<vmem>>
      %dma_start3A_87 = arith.constant 0 : i32
      %dma_start3A_88 = tpu.memref_slice %arg2[%dma_start3A_87] : memref<51380224xf32, #tpu.memory_space<hbm>> -> memref<51380224xf32, #tpu.memory_space<hbm>>
      tpu.enqueue_indirect_dma source(%dma_start3A_88 : memref<51380224xf32, #tpu.memory_space<hbm>>) target(%dma_start3A_84 : memref<128xf32, #tpu.memory_space<vmem>>) offsets(%dma_start3A_86 : memref<128xi32, #tpu.memory_space<vmem>>) semaphore(%arg7 : memref<!tpu.dma_semaphore, #tpu.memory_space<semaphore_mem>>)
      %dma_start3A_89 = arith.constant 1664 : i32
      %dma_start3A_90 = tpu.memref_slice %arg6[%dma_start3A_89] : memref<5376xf32, #tpu.memory_space<vmem>> -> memref<128xf32, #tpu.memory_space<vmem>>
      %dma_start3A_91 = arith.constant 1664 : i32
      %dma_start3A_92 = tpu.memref_slice %arg5[%dma_start3A_91] : memref<5376xi32, #tpu.memory_space<vmem>> -> memref<128xi32, #tpu.memory_space<vmem>>
      %dma_start3A_93 = arith.constant 0 : i32
      %dma_start3A_94 = tpu.memref_slice %arg2[%dma_start3A_93] : memref<51380224xf32, #tpu.memory_space<hbm>> -> memref<51380224xf32, #tpu.memory_space<hbm>>
      tpu.enqueue_indirect_dma source(%dma_start3A_94 : memref<51380224xf32, #tpu.memory_space<hbm>>) target(%dma_start3A_90 : memref<128xf32, #tpu.memory_space<vmem>>) offsets(%dma_start3A_92 : memref<128xi32, #tpu.memory_space<vmem>>) semaphore(%arg7 : memref<!tpu.dma_semaphore, #tpu.memory_space<semaphore_mem>>)
      %dma_start3A_95 = arith.constant 1792 : i32
      %dma_start3A_96 = tpu.memref_slice %arg6[%dma_start3A_95] : memref<5376xf32, #tpu.memory_space<vmem>> -> memref<128xf32, #tpu.memory_space<vmem>>
      %dma_start3A_97 = arith.constant 1792 : i32
      %dma_start3A_98 = tpu.memref_slice %arg5[%dma_start3A_97] : memref<5376xi32, #tpu.memory_space<vmem>> -> memref<128xi32, #tpu.memory_space<vmem>>
      %dma_start3A_99 = arith.constant 0 : i32
      %dma_start3A_100 = tpu.memref_slice %arg2[%dma_start3A_99] : memref<51380224xf32, #tpu.memory_space<hbm>> -> memref<51380224xf32, #tpu.memory_space<hbm>>
      tpu.enqueue_indirect_dma source(%dma_start3A_100 : memref<51380224xf32, #tpu.memory_space<hbm>>) target(%dma_start3A_96 : memref<128xf32, #tpu.memory_space<vmem>>) offsets(%dma_start3A_98 : memref<128xi32, #tpu.memory_space<vmem>>) semaphore(%arg7 : memref<!tpu.dma_semaphore, #tpu.memory_space<semaphore_mem>>)
      %dma_start3A_101 = arith.constant 1920 : i32
      %dma_start3A_102 = tpu.memref_slice %arg6[%dma_start3A_101] : memref<5376xf32, #tpu.memory_space<vmem>> -> memref<128xf32, #tpu.memory_space<vmem>>
      %dma_start3A_103 = arith.constant 1920 : i32
      %dma_start3A_104 = tpu.memref_slice %arg5[%dma_start3A_103] : memref<5376xi32, #tpu.memory_space<vmem>> -> memref<128xi32, #tpu.memory_space<vmem>>
      %dma_start3A_105 = arith.constant 0 : i32
      %dma_start3A_106 = tpu.memref_slice %arg2[%dma_start3A_105] : memref<51380224xf32, #tpu.memory_space<hbm>> -> memref<51380224xf32, #tpu.memory_space<hbm>>
      tpu.enqueue_indirect_dma source(%dma_start3A_106 : memref<51380224xf32, #tpu.memory_space<hbm>>) target(%dma_start3A_102 : memref<128xf32, #tpu.memory_space<vmem>>) offsets(%dma_start3A_104 : memref<128xi32, #tpu.memory_space<vmem>>) semaphore(%arg7 : memref<!tpu.dma_semaphore, #tpu.memory_space<semaphore_mem>>)
      %dma_start3A_107 = arith.constant 2048 : i32
      %dma_start3A_108 = tpu.memref_slice %arg6[%dma_start3A_107] : memref<5376xf32, #tpu.memory_space<vmem>> -> memref<128xf32, #tpu.memory_space<vmem>>
      %dma_start3A_109 = arith.constant 2048 : i32
      %dma_start3A_110 = tpu.memref_slice %arg5[%dma_start3A_109] : memref<5376xi32, #tpu.memory_space<vmem>> -> memref<128xi32, #tpu.memory_space<vmem>>
      %dma_start3A_111 = arith.constant 0 : i32
      %dma_start3A_112 = tpu.memref_slice %arg2[%dma_start3A_111] : memref<51380224xf32, #tpu.memory_space<hbm>> -> memref<51380224xf32, #tpu.memory_space<hbm>>
      tpu.enqueue_indirect_dma source(%dma_start3A_112 : memref<51380224xf32, #tpu.memory_space<hbm>>) target(%dma_start3A_108 : memref<128xf32, #tpu.memory_space<vmem>>) offsets(%dma_start3A_110 : memref<128xi32, #tpu.memory_space<vmem>>) semaphore(%arg7 : memref<!tpu.dma_semaphore, #tpu.memory_space<semaphore_mem>>)
      %dma_start3A_113 = arith.constant 2176 : i32
      %dma_start3A_114 = tpu.memref_slice %arg6[%dma_start3A_113] : memref<5376xf32, #tpu.memory_space<vmem>> -> memref<128xf32, #tpu.memory_space<vmem>>
      %dma_start3A_115 = arith.constant 2176 : i32
      %dma_start3A_116 = tpu.memref_slice %arg5[%dma_start3A_115] : memref<5376xi32, #tpu.memory_space<vmem>> -> memref<128xi32, #tpu.memory_space<vmem>>
      %dma_start3A_117 = arith.constant 0 : i32
      %dma_start3A_118 = tpu.memref_slice %arg2[%dma_start3A_117] : memref<51380224xf32, #tpu.memory_space<hbm>> -> memref<51380224xf32, #tpu.memory_space<hbm>>
      tpu.enqueue_indirect_dma source(%dma_start3A_118 : memref<51380224xf32, #tpu.memory_space<hbm>>) target(%dma_start3A_114 : memref<128xf32, #tpu.memory_space<vmem>>) offsets(%dma_start3A_116 : memref<128xi32, #tpu.memory_space<vmem>>) semaphore(%arg7 : memref<!tpu.dma_semaphore, #tpu.memory_space<semaphore_mem>>)
      %dma_start3A_119 = arith.constant 2304 : i32
      %dma_start3A_120 = tpu.memref_slice %arg6[%dma_start3A_119] : memref<5376xf32, #tpu.memory_space<vmem>> -> memref<128xf32, #tpu.memory_space<vmem>>
      %dma_start3A_121 = arith.constant 2304 : i32
      %dma_start3A_122 = tpu.memref_slice %arg5[%dma_start3A_121] : memref<5376xi32, #tpu.memory_space<vmem>> -> memref<128xi32, #tpu.memory_space<vmem>>
      %dma_start3A_123 = arith.constant 0 : i32
      %dma_start3A_124 = tpu.memref_slice %arg2[%dma_start3A_123] : memref<51380224xf32, #tpu.memory_space<hbm>> -> memref<51380224xf32, #tpu.memory_space<hbm>>
      tpu.enqueue_indirect_dma source(%dma_start3A_124 : memref<51380224xf32, #tpu.memory_space<hbm>>) target(%dma_start3A_120 : memref<128xf32, #tpu.memory_space<vmem>>) offsets(%dma_start3A_122 : memref<128xi32, #tpu.memory_space<vmem>>) semaphore(%arg7 : memref<!tpu.dma_semaphore, #tpu.memory_space<semaphore_mem>>)
      %dma_start3A_125 = arith.constant 2432 : i32
      %dma_start3A_126 = tpu.memref_slice %arg6[%dma_start3A_125] : memref<5376xf32, #tpu.memory_space<vmem>> -> memref<128xf32, #tpu.memory_space<vmem>>
      %dma_start3A_127 = arith.constant 2432 : i32
      %dma_start3A_128 = tpu.memref_slice %arg5[%dma_start3A_127] : memref<5376xi32, #tpu.memory_space<vmem>> -> memref<128xi32, #tpu.memory_space<vmem>>
      %dma_start3A_129 = arith.constant 0 : i32
      %dma_start3A_130 = tpu.memref_slice %arg2[%dma_start3A_129] : memref<51380224xf32, #tpu.memory_space<hbm>> -> memref<51380224xf32, #tpu.memory_space<hbm>>
      tpu.enqueue_indirect_dma source(%dma_start3A_130 : memref<51380224xf32, #tpu.memory_space<hbm>>) target(%dma_start3A_126 : memref<128xf32, #tpu.memory_space<vmem>>) offsets(%dma_start3A_128 : memref<128xi32, #tpu.memory_space<vmem>>) semaphore(%arg7 : memref<!tpu.dma_semaphore, #tpu.memory_space<semaphore_mem>>)
      %dma_start3A_131 = arith.constant 2560 : i32
      %dma_start3A_132 = tpu.memref_slice %arg6[%dma_start3A_131] : memref<5376xf32, #tpu.memory_space<vmem>> -> memref<128xf32, #tpu.memory_space<vmem>>
      %dma_start3A_133 = arith.constant 2560 : i32
      %dma_start3A_134 = tpu.memref_slice %arg5[%dma_start3A_133] : memref<5376xi32, #tpu.memory_space<vmem>> -> memref<128xi32, #tpu.memory_space<vmem>>
      %dma_start3A_135 = arith.constant 0 : i32
      %dma_start3A_136 = tpu.memref_slice %arg2[%dma_start3A_135] : memref<51380224xf32, #tpu.memory_space<hbm>> -> memref<51380224xf32, #tpu.memory_space<hbm>>
      tpu.enqueue_indirect_dma source(%dma_start3A_136 : memref<51380224xf32, #tpu.memory_space<hbm>>) target(%dma_start3A_132 : memref<128xf32, #tpu.memory_space<vmem>>) offsets(%dma_start3A_134 : memref<128xi32, #tpu.memory_space<vmem>>) semaphore(%arg7 : memref<!tpu.dma_semaphore, #tpu.memory_space<semaphore_mem>>)
      %dma_start3A_137 = arith.constant 2688 : i32
      %dma_start3A_138 = tpu.memref_slice %arg6[%dma_start3A_137] : memref<5376xf32, #tpu.memory_space<vmem>> -> memref<128xf32, #tpu.memory_space<vmem>>
      %dma_start3A_139 = arith.constant 2688 : i32
      %dma_start3A_140 = tpu.memref_slice %arg5[%dma_start3A_139] : memref<5376xi32, #tpu.memory_space<vmem>> -> memref<128xi32, #tpu.memory_space<vmem>>
      %dma_start3A_141 = arith.constant 0 : i32
      %dma_start3A_142 = tpu.memref_slice %arg2[%dma_start3A_141] : memref<51380224xf32, #tpu.memory_space<hbm>> -> memref<51380224xf32, #tpu.memory_space<hbm>>
      tpu.enqueue_indirect_dma source(%dma_start3A_142 : memref<51380224xf32, #tpu.memory_space<hbm>>) target(%dma_start3A_138 : memref<128xf32, #tpu.memory_space<vmem>>) offsets(%dma_start3A_140 : memref<128xi32, #tpu.memory_space<vmem>>) semaphore(%arg7 : memref<!tpu.dma_semaphore, #tpu.memory_space<semaphore_mem>>)
      %dma_start3A_143 = arith.constant 2816 : i32
      %dma_start3A_144 = tpu.memref_slice %arg6[%dma_start3A_143] : memref<5376xf32, #tpu.memory_space<vmem>> -> memref<128xf32, #tpu.memory_space<vmem>>
      %dma_start3A_145 = arith.constant 2816 : i32
      %dma_start3A_146 = tpu.memref_slice %arg5[%dma_start3A_145] : memref<5376xi32, #tpu.memory_space<vmem>> -> memref<128xi32, #tpu.memory_space<vmem>>
      %dma_start3A_147 = arith.constant 0 : i32
      %dma_start3A_148 = tpu.memref_slice %arg2[%dma_start3A_147] : memref<51380224xf32, #tpu.memory_space<hbm>> -> memref<51380224xf32, #tpu.memory_space<hbm>>
      tpu.enqueue_indirect_dma source(%dma_start3A_148 : memref<51380224xf32, #tpu.memory_space<hbm>>) target(%dma_start3A_144 : memref<128xf32, #tpu.memory_space<vmem>>) offsets(%dma_start3A_146 : memref<128xi32, #tpu.memory_space<vmem>>) semaphore(%arg7 : memref<!tpu.dma_semaphore, #tpu.memory_space<semaphore_mem>>)
      %dma_start3A_149 = arith.constant 2944 : i32
      %dma_start3A_150 = tpu.memref_slice %arg6[%dma_start3A_149] : memref<5376xf32, #tpu.memory_space<vmem>> -> memref<128xf32, #tpu.memory_space<vmem>>
      %dma_start3A_151 = arith.constant 2944 : i32
      %dma_start3A_152 = tpu.memref_slice %arg5[%dma_start3A_151] : memref<5376xi32, #tpu.memory_space<vmem>> -> memref<128xi32, #tpu.memory_space<vmem>>
      %dma_start3A_153 = arith.constant 0 : i32
      %dma_start3A_154 = tpu.memref_slice %arg2[%dma_start3A_153] : memref<51380224xf32, #tpu.memory_space<hbm>> -> memref<51380224xf32, #tpu.memory_space<hbm>>
      tpu.enqueue_indirect_dma source(%dma_start3A_154 : memref<51380224xf32, #tpu.memory_space<hbm>>) target(%dma_start3A_150 : memref<128xf32, #tpu.memory_space<vmem>>) offsets(%dma_start3A_152 : memref<128xi32, #tpu.memory_space<vmem>>) semaphore(%arg7 : memref<!tpu.dma_semaphore, #tpu.memory_space<semaphore_mem>>)
      %dma_start3A_155 = arith.constant 3072 : i32
      %dma_start3A_156 = tpu.memref_slice %arg6[%dma_start3A_155] : memref<5376xf32, #tpu.memory_space<vmem>> -> memref<128xf32, #tpu.memory_space<vmem>>
      %dma_start3A_157 = arith.constant 3072 : i32
      %dma_start3A_158 = tpu.memref_slice %arg5[%dma_start3A_157] : memref<5376xi32, #tpu.memory_space<vmem>> -> memref<128xi32, #tpu.memory_space<vmem>>
      %dma_start3A_159 = arith.constant 0 : i32
      %dma_start3A_160 = tpu.memref_slice %arg2[%dma_start3A_159] : memref<51380224xf32, #tpu.memory_space<hbm>> -> memref<51380224xf32, #tpu.memory_space<hbm>>
      tpu.enqueue_indirect_dma source(%dma_start3A_160 : memref<51380224xf32, #tpu.memory_space<hbm>>) target(%dma_start3A_156 : memref<128xf32, #tpu.memory_space<vmem>>) offsets(%dma_start3A_158 : memref<128xi32, #tpu.memory_space<vmem>>) semaphore(%arg7 : memref<!tpu.dma_semaphore, #tpu.memory_space<semaphore_mem>>)
      %dma_start3A_161 = arith.constant 3200 : i32
      %dma_start3A_162 = tpu.memref_slice %arg6[%dma_start3A_161] : memref<5376xf32, #tpu.memory_space<vmem>> -> memref<128xf32, #tpu.memory_space<vmem>>
      %dma_start3A_163 = arith.constant 3200 : i32
      %dma_start3A_164 = tpu.memref_slice %arg5[%dma_start3A_163] : memref<5376xi32, #tpu.memory_space<vmem>> -> memref<128xi32, #tpu.memory_space<vmem>>
      %dma_start3A_165 = arith.constant 0 : i32
      %dma_start3A_166 = tpu.memref_slice %arg2[%dma_start3A_165] : memref<51380224xf32, #tpu.memory_space<hbm>> -> memref<51380224xf32, #tpu.memory_space<hbm>>
      tpu.enqueue_indirect_dma source(%dma_start3A_166 : memref<51380224xf32, #tpu.memory_space<hbm>>) target(%dma_start3A_162 : memref<128xf32, #tpu.memory_space<vmem>>) offsets(%dma_start3A_164 : memref<128xi32, #tpu.memory_space<vmem>>) semaphore(%arg7 : memref<!tpu.dma_semaphore, #tpu.memory_space<semaphore_mem>>)
      %dma_start3A_167 = arith.constant 3328 : i32
      %dma_start3A_168 = tpu.memref_slice %arg6[%dma_start3A_167] : memref<5376xf32, #tpu.memory_space<vmem>> -> memref<128xf32, #tpu.memory_space<vmem>>
      %dma_start3A_169 = arith.constant 3328 : i32
      %dma_start3A_170 = tpu.memref_slice %arg5[%dma_start3A_169] : memref<5376xi32, #tpu.memory_space<vmem>> -> memref<128xi32, #tpu.memory_space<vmem>>
      %dma_start3A_171 = arith.constant 0 : i32
      %dma_start3A_172 = tpu.memref_slice %arg2[%dma_start3A_171] : memref<51380224xf32, #tpu.memory_space<hbm>> -> memref<51380224xf32, #tpu.memory_space<hbm>>
      tpu.enqueue_indirect_dma source(%dma_start3A_172 : memref<51380224xf32, #tpu.memory_space<hbm>>) target(%dma_start3A_168 : memref<128xf32, #tpu.memory_space<vmem>>) offsets(%dma_start3A_170 : memref<128xi32, #tpu.memory_space<vmem>>) semaphore(%arg7 : memref<!tpu.dma_semaphore, #tpu.memory_space<semaphore_mem>>)
      %dma_start3A_173 = arith.constant 3456 : i32
      %dma_start3A_174 = tpu.memref_slice %arg6[%dma_start3A_173] : memref<5376xf32, #tpu.memory_space<vmem>> -> memref<128xf32, #tpu.memory_space<vmem>>
      %dma_start3A_175 = arith.constant 3456 : i32
      %dma_start3A_176 = tpu.memref_slice %arg5[%dma_start3A_175] : memref<5376xi32, #tpu.memory_space<vmem>> -> memref<128xi32, #tpu.memory_space<vmem>>
      %dma_start3A_177 = arith.constant 0 : i32
      %dma_start3A_178 = tpu.memref_slice %arg2[%dma_start3A_177] : memref<51380224xf32, #tpu.memory_space<hbm>> -> memref<51380224xf32, #tpu.memory_space<hbm>>
      tpu.enqueue_indirect_dma source(%dma_start3A_178 : memref<51380224xf32, #tpu.memory_space<hbm>>) target(%dma_start3A_174 : memref<128xf32, #tpu.memory_space<vmem>>) offsets(%dma_start3A_176 : memref<128xi32, #tpu.memory_space<vmem>>) semaphore(%arg7 : memref<!tpu.dma_semaphore, #tpu.memory_space<semaphore_mem>>)
      %dma_start3A_179 = arith.constant 3584 : i32
      %dma_start3A_180 = tpu.memref_slice %arg6[%dma_start3A_179] : memref<5376xf32, #tpu.memory_space<vmem>> -> memref<128xf32, #tpu.memory_space<vmem>>
      %dma_start3A_181 = arith.constant 3584 : i32
      %dma_start3A_182 = tpu.memref_slice %arg5[%dma_start3A_181] : memref<5376xi32, #tpu.memory_space<vmem>> -> memref<128xi32, #tpu.memory_space<vmem>>
      %dma_start3A_183 = arith.constant 0 : i32
      %dma_start3A_184 = tpu.memref_slice %arg2[%dma_start3A_183] : memref<51380224xf32, #tpu.memory_space<hbm>> -> memref<51380224xf32, #tpu.memory_space<hbm>>
      tpu.enqueue_indirect_dma source(%dma_start3A_184 : memref<51380224xf32, #tpu.memory_space<hbm>>) target(%dma_start3A_180 : memref<128xf32, #tpu.memory_space<vmem>>) offsets(%dma_start3A_182 : memref<128xi32, #tpu.memory_space<vmem>>) semaphore(%arg7 : memref<!tpu.dma_semaphore, #tpu.memory_space<semaphore_mem>>)
      %dma_start3A_185 = arith.constant 3712 : i32
      %dma_start3A_186 = tpu.memref_slice %arg6[%dma_start3A_185] : memref<5376xf32, #tpu.memory_space<vmem>> -> memref<128xf32, #tpu.memory_space<vmem>>
      %dma_start3A_187 = arith.constant 3712 : i32
      %dma_start3A_188 = tpu.memref_slice %arg5[%dma_start3A_187] : memref<5376xi32, #tpu.memory_space<vmem>> -> memref<128xi32, #tpu.memory_space<vmem>>
      %dma_start3A_189 = arith.constant 0 : i32
      %dma_start3A_190 = tpu.memref_slice %arg2[%dma_start3A_189] : memref<51380224xf32, #tpu.memory_space<hbm>> -> memref<51380224xf32, #tpu.memory_space<hbm>>
      tpu.enqueue_indirect_dma source(%dma_start3A_190 : memref<51380224xf32, #tpu.memory_space<hbm>>) target(%dma_start3A_186 : memref<128xf32, #tpu.memory_space<vmem>>) offsets(%dma_start3A_188 : memref<128xi32, #tpu.memory_space<vmem>>) semaphore(%arg7 : memref<!tpu.dma_semaphore, #tpu.memory_space<semaphore_mem>>)
      %dma_start3A_191 = arith.constant 3840 : i32
      %dma_start3A_192 = tpu.memref_slice %arg6[%dma_start3A_191] : memref<5376xf32, #tpu.memory_space<vmem>> -> memref<128xf32, #tpu.memory_space<vmem>>
      %dma_start3A_193 = arith.constant 3840 : i32
      %dma_start3A_194 = tpu.memref_slice %arg5[%dma_start3A_193] : memref<5376xi32, #tpu.memory_space<vmem>> -> memref<128xi32, #tpu.memory_space<vmem>>
      %dma_start3A_195 = arith.constant 0 : i32
      %dma_start3A_196 = tpu.memref_slice %arg2[%dma_start3A_195] : memref<51380224xf32, #tpu.memory_space<hbm>> -> memref<51380224xf32, #tpu.memory_space<hbm>>
      tpu.enqueue_indirect_dma source(%dma_start3A_196 : memref<51380224xf32, #tpu.memory_space<hbm>>) target(%dma_start3A_192 : memref<128xf32, #tpu.memory_space<vmem>>) offsets(%dma_start3A_194 : memref<128xi32, #tpu.memory_space<vmem>>) semaphore(%arg7 : memref<!tpu.dma_semaphore, #tpu.memory_space<semaphore_mem>>)
      %dma_start3A_197 = arith.constant 3968 : i32
      %dma_start3A_198 = tpu.memref_slice %arg6[%dma_start3A_197] : memref<5376xf32, #tpu.memory_space<vmem>> -> memref<128xf32, #tpu.memory_space<vmem>>
      %dma_start3A_199 = arith.constant 3968 : i32
      %dma_start3A_200 = tpu.memref_slice %arg5[%dma_start3A_199] : memref<5376xi32, #tpu.memory_space<vmem>> -> memref<128xi32, #tpu.memory_space<vmem>>
      %dma_start3A_201 = arith.constant 0 : i32
      %dma_start3A_202 = tpu.memref_slice %arg2[%dma_start3A_201] : memref<51380224xf32, #tpu.memory_space<hbm>> -> memref<51380224xf32, #tpu.memory_space<hbm>>
      tpu.enqueue_indirect_dma source(%dma_start3A_202 : memref<51380224xf32, #tpu.memory_space<hbm>>) target(%dma_start3A_198 : memref<128xf32, #tpu.memory_space<vmem>>) offsets(%dma_start3A_200 : memref<128xi32, #tpu.memory_space<vmem>>) semaphore(%arg7 : memref<!tpu.dma_semaphore, #tpu.memory_space<semaphore_mem>>)
      %dma_start3A_203 = arith.constant 4096 : i32
      %dma_start3A_204 = tpu.memref_slice %arg6[%dma_start3A_203] : memref<5376xf32, #tpu.memory_space<vmem>> -> memref<128xf32, #tpu.memory_space<vmem>>
      %dma_start3A_205 = arith.constant 4096 : i32
      %dma_start3A_206 = tpu.memref_slice %arg5[%dma_start3A_205] : memref<5376xi32, #tpu.memory_space<vmem>> -> memref<128xi32, #tpu.memory_space<vmem>>
      %dma_start3A_207 = arith.constant 0 : i32
      %dma_start3A_208 = tpu.memref_slice %arg2[%dma_start3A_207] : memref<51380224xf32, #tpu.memory_space<hbm>> -> memref<51380224xf32, #tpu.memory_space<hbm>>
      tpu.enqueue_indirect_dma source(%dma_start3A_208 : memref<51380224xf32, #tpu.memory_space<hbm>>) target(%dma_start3A_204 : memref<128xf32, #tpu.memory_space<vmem>>) offsets(%dma_start3A_206 : memref<128xi32, #tpu.memory_space<vmem>>) semaphore(%arg7 : memref<!tpu.dma_semaphore, #tpu.memory_space<semaphore_mem>>)
      %dma_start3A_209 = arith.constant 4224 : i32
      %dma_start3A_210 = tpu.memref_slice %arg6[%dma_start3A_209] : memref<5376xf32, #tpu.memory_space<vmem>> -> memref<128xf32, #tpu.memory_space<vmem>>
      %dma_start3A_211 = arith.constant 4224 : i32
      %dma_start3A_212 = tpu.memref_slice %arg5[%dma_start3A_211] : memref<5376xi32, #tpu.memory_space<vmem>> -> memref<128xi32, #tpu.memory_space<vmem>>
      %dma_start3A_213 = arith.constant 0 : i32
      %dma_start3A_214 = tpu.memref_slice %arg2[%dma_start3A_213] : memref<51380224xf32, #tpu.memory_space<hbm>> -> memref<51380224xf32, #tpu.memory_space<hbm>>
      tpu.enqueue_indirect_dma source(%dma_start3A_214 : memref<51380224xf32, #tpu.memory_space<hbm>>) target(%dma_start3A_210 : memref<128xf32, #tpu.memory_space<vmem>>) offsets(%dma_start3A_212 : memref<128xi32, #tpu.memory_space<vmem>>) semaphore(%arg7 : memref<!tpu.dma_semaphore, #tpu.memory_space<semaphore_mem>>)
      %dma_start3A_215 = arith.constant 4352 : i32
      %dma_start3A_216 = tpu.memref_slice %arg6[%dma_start3A_215] : memref<5376xf32, #tpu.memory_space<vmem>> -> memref<128xf32, #tpu.memory_space<vmem>>
      %dma_start3A_217 = arith.constant 4352 : i32
      %dma_start3A_218 = tpu.memref_slice %arg5[%dma_start3A_217] : memref<5376xi32, #tpu.memory_space<vmem>> -> memref<128xi32, #tpu.memory_space<vmem>>
      %dma_start3A_219 = arith.constant 0 : i32
      %dma_start3A_220 = tpu.memref_slice %arg2[%dma_start3A_219] : memref<51380224xf32, #tpu.memory_space<hbm>> -> memref<51380224xf32, #tpu.memory_space<hbm>>
      tpu.enqueue_indirect_dma source(%dma_start3A_220 : memref<51380224xf32, #tpu.memory_space<hbm>>) target(%dma_start3A_216 : memref<128xf32, #tpu.memory_space<vmem>>) offsets(%dma_start3A_218 : memref<128xi32, #tpu.memory_space<vmem>>) semaphore(%arg7 : memref<!tpu.dma_semaphore, #tpu.memory_space<semaphore_mem>>)
      %dma_start3A_221 = arith.constant 4480 : i32
      %dma_start3A_222 = tpu.memref_slice %arg6[%dma_start3A_221] : memref<5376xf32, #tpu.memory_space<vmem>> -> memref<128xf32, #tpu.memory_space<vmem>>
      %dma_start3A_223 = arith.constant 4480 : i32
      %dma_start3A_224 = tpu.memref_slice %arg5[%dma_start3A_223] : memref<5376xi32, #tpu.memory_space<vmem>> -> memref<128xi32, #tpu.memory_space<vmem>>
      %dma_start3A_225 = arith.constant 0 : i32
      %dma_start3A_226 = tpu.memref_slice %arg2[%dma_start3A_225] : memref<51380224xf32, #tpu.memory_space<hbm>> -> memref<51380224xf32, #tpu.memory_space<hbm>>
      tpu.enqueue_indirect_dma source(%dma_start3A_226 : memref<51380224xf32, #tpu.memory_space<hbm>>) target(%dma_start3A_222 : memref<128xf32, #tpu.memory_space<vmem>>) offsets(%dma_start3A_224 : memref<128xi32, #tpu.memory_space<vmem>>) semaphore(%arg7 : memref<!tpu.dma_semaphore, #tpu.memory_space<semaphore_mem>>)
      %dma_start3A_227 = arith.constant 4608 : i32
      %dma_start3A_228 = tpu.memref_slice %arg6[%dma_start3A_227] : memref<5376xf32, #tpu.memory_space<vmem>> -> memref<128xf32, #tpu.memory_space<vmem>>
      %dma_start3A_229 = arith.constant 4608 : i32
      %dma_start3A_230 = tpu.memref_slice %arg5[%dma_start3A_229] : memref<5376xi32, #tpu.memory_space<vmem>> -> memref<128xi32, #tpu.memory_space<vmem>>
      %dma_start3A_231 = arith.constant 0 : i32
      %dma_start3A_232 = tpu.memref_slice %arg2[%dma_start3A_231] : memref<51380224xf32, #tpu.memory_space<hbm>> -> memref<51380224xf32, #tpu.memory_space<hbm>>
      tpu.enqueue_indirect_dma source(%dma_start3A_232 : memref<51380224xf32, #tpu.memory_space<hbm>>) target(%dma_start3A_228 : memref<128xf32, #tpu.memory_space<vmem>>) offsets(%dma_start3A_230 : memref<128xi32, #tpu.memory_space<vmem>>) semaphore(%arg7 : memref<!tpu.dma_semaphore, #tpu.memory_space<semaphore_mem>>)
      %dma_start3A_233 = arith.constant 4736 : i32
      %dma_start3A_234 = tpu.memref_slice %arg6[%dma_start3A_233] : memref<5376xf32, #tpu.memory_space<vmem>> -> memref<128xf32, #tpu.memory_space<vmem>>
      %dma_start3A_235 = arith.constant 4736 : i32
      %dma_start3A_236 = tpu.memref_slice %arg5[%dma_start3A_235] : memref<5376xi32, #tpu.memory_space<vmem>> -> memref<128xi32, #tpu.memory_space<vmem>>
      %dma_start3A_237 = arith.constant 0 : i32
      %dma_start3A_238 = tpu.memref_slice %arg2[%dma_start3A_237] : memref<51380224xf32, #tpu.memory_space<hbm>> -> memref<51380224xf32, #tpu.memory_space<hbm>>
      tpu.enqueue_indirect_dma source(%dma_start3A_238 : memref<51380224xf32, #tpu.memory_space<hbm>>) target(%dma_start3A_234 : memref<128xf32, #tpu.memory_space<vmem>>) offsets(%dma_start3A_236 : memref<128xi32, #tpu.memory_space<vmem>>) semaphore(%arg7 : memref<!tpu.dma_semaphore, #tpu.memory_space<semaphore_mem>>)
      %dma_start3A_239 = arith.constant 4864 : i32
      %dma_start3A_240 = tpu.memref_slice %arg6[%dma_start3A_239] : memref<5376xf32, #tpu.memory_space<vmem>> -> memref<128xf32, #tpu.memory_space<vmem>>
      %dma_start3A_241 = arith.constant 4864 : i32
      %dma_start3A_242 = tpu.memref_slice %arg5[%dma_start3A_241] : memref<5376xi32, #tpu.memory_space<vmem>> -> memref<128xi32, #tpu.memory_space<vmem>>
      %dma_start3A_243 = arith.constant 0 : i32
      %dma_start3A_244 = tpu.memref_slice %arg2[%dma_start3A_243] : memref<51380224xf32, #tpu.memory_space<hbm>> -> memref<51380224xf32, #tpu.memory_space<hbm>>
      tpu.enqueue_indirect_dma source(%dma_start3A_244 : memref<51380224xf32, #tpu.memory_space<hbm>>) target(%dma_start3A_240 : memref<128xf32, #tpu.memory_space<vmem>>) offsets(%dma_start3A_242 : memref<128xi32, #tpu.memory_space<vmem>>) semaphore(%arg7 : memref<!tpu.dma_semaphore, #tpu.memory_space<semaphore_mem>>)
      %dma_start3A_245 = arith.constant 4992 : i32
      %dma_start3A_246 = tpu.memref_slice %arg6[%dma_start3A_245] : memref<5376xf32, #tpu.memory_space<vmem>> -> memref<128xf32, #tpu.memory_space<vmem>>
      %dma_start3A_247 = arith.constant 4992 : i32
      %dma_start3A_248 = tpu.memref_slice %arg5[%dma_start3A_247] : memref<5376xi32, #tpu.memory_space<vmem>> -> memref<128xi32, #tpu.memory_space<vmem>>
      %dma_start3A_249 = arith.constant 0 : i32
      %dma_start3A_250 = tpu.memref_slice %arg2[%dma_start3A_249] : memref<51380224xf32, #tpu.memory_space<hbm>> -> memref<51380224xf32, #tpu.memory_space<hbm>>
      tpu.enqueue_indirect_dma source(%dma_start3A_250 : memref<51380224xf32, #tpu.memory_space<hbm>>) target(%dma_start3A_246 : memref<128xf32, #tpu.memory_space<vmem>>) offsets(%dma_start3A_248 : memref<128xi32, #tpu.memory_space<vmem>>) semaphore(%arg7 : memref<!tpu.dma_semaphore, #tpu.memory_space<semaphore_mem>>)
      %dma_start3A_251 = arith.constant 5120 : i32
      %dma_start3A_252 = tpu.memref_slice %arg6[%dma_start3A_251] : memref<5376xf32, #tpu.memory_space<vmem>> -> memref<128xf32, #tpu.memory_space<vmem>>
      %dma_start3A_253 = arith.constant 5120 : i32
      %dma_start3A_254 = tpu.memref_slice %arg5[%dma_start3A_253] : memref<5376xi32, #tpu.memory_space<vmem>> -> memref<128xi32, #tpu.memory_space<vmem>>
      %dma_start3A_255 = arith.constant 0 : i32
      %dma_start3A_256 = tpu.memref_slice %arg2[%dma_start3A_255] : memref<51380224xf32, #tpu.memory_space<hbm>> -> memref<51380224xf32, #tpu.memory_space<hbm>>
      tpu.enqueue_indirect_dma source(%dma_start3A_256 : memref<51380224xf32, #tpu.memory_space<hbm>>) target(%dma_start3A_252 : memref<128xf32, #tpu.memory_space<vmem>>) offsets(%dma_start3A_254 : memref<128xi32, #tpu.memory_space<vmem>>) semaphore(%arg7 : memref<!tpu.dma_semaphore, #tpu.memory_space<semaphore_mem>>)
      %dma_start3A_257 = arith.constant 5248 : i32
      %dma_start3A_258 = tpu.memref_slice %arg6[%dma_start3A_257] : memref<5376xf32, #tpu.memory_space<vmem>> -> memref<128xf32, #tpu.memory_space<vmem>>
      %dma_start3A_259 = arith.constant 5248 : i32
      %dma_start3A_260 = tpu.memref_slice %arg5[%dma_start3A_259] : memref<5376xi32, #tpu.memory_space<vmem>> -> memref<128xi32, #tpu.memory_space<vmem>>
      %dma_start3A_261 = arith.constant 0 : i32
      %dma_start3A_262 = tpu.memref_slice %arg2[%dma_start3A_261] : memref<51380224xf32, #tpu.memory_space<hbm>> -> memref<51380224xf32, #tpu.memory_space<hbm>>
      tpu.enqueue_indirect_dma source(%dma_start3A_262 : memref<51380224xf32, #tpu.memory_space<hbm>>) target(%dma_start3A_258 : memref<128xf32, #tpu.memory_space<vmem>>) offsets(%dma_start3A_260 : memref<128xi32, #tpu.memory_space<vmem>>) semaphore(%arg7 : memref<!tpu.dma_semaphore, #tpu.memory_space<semaphore_mem>>)
      %dma_wait3A = arith.constant 0 : i32
      %dma_wait3A_263 = tpu.memref_slice %arg6[%dma_wait3A] : memref<5376xf32, #tpu.memory_space<vmem>> -> memref<128xf32, #tpu.memory_space<vmem>>
      %dma_wait3A_264 = arith.constant 0 : i32
      %dma_wait3A_265 = tpu.memref_slice %arg5[%dma_wait3A_264] : memref<5376xi32, #tpu.memory_space<vmem>> -> memref<128xi32, #tpu.memory_space<vmem>>
      %dma_wait3A_266 = arith.constant 0 : i32
      %dma_wait3A_267 = tpu.memref_slice %arg2[%dma_wait3A_266] : memref<51380224xf32, #tpu.memory_space<hbm>> -> memref<51380224xf32, #tpu.memory_space<hbm>>
      tpu.wait_indirect_dma semaphore(%arg7 : memref<!tpu.dma_semaphore, #tpu.memory_space<semaphore_mem>>) src(%dma_wait3A_267 : memref<51380224xf32, #tpu.memory_space<hbm>>) dst(%dma_wait3A_263 : memref<128xf32, #tpu.memory_space<vmem>>)
      %dma_wait3A_268 = arith.constant 128 : i32
      %dma_wait3A_269 = tpu.memref_slice %arg6[%dma_wait3A_268] : memref<5376xf32, #tpu.memory_space<vmem>> -> memref<128xf32, #tpu.memory_space<vmem>>
      %dma_wait3A_270 = arith.constant 128 : i32
      %dma_wait3A_271 = tpu.memref_slice %arg5[%dma_wait3A_270] : memref<5376xi32, #tpu.memory_space<vmem>> -> memref<128xi32, #tpu.memory_space<vmem>>
      %dma_wait3A_272 = arith.constant 0 : i32
      %dma_wait3A_273 = tpu.memref_slice %arg2[%dma_wait3A_272] : memref<51380224xf32, #tpu.memory_space<hbm>> -> memref<51380224xf32, #tpu.memory_space<hbm>>
      tpu.wait_indirect_dma semaphore(%arg7 : memref<!tpu.dma_semaphore, #tpu.memory_space<semaphore_mem>>) src(%dma_wait3A_273 : memref<51380224xf32, #tpu.memory_space<hbm>>) dst(%dma_wait3A_269 : memref<128xf32, #tpu.memory_space<vmem>>)
      %dma_wait3A_274 = arith.constant 256 : i32
      %dma_wait3A_275 = tpu.memref_slice %arg6[%dma_wait3A_274] : memref<5376xf32, #tpu.memory_space<vmem>> -> memref<128xf32, #tpu.memory_space<vmem>>
      %dma_wait3A_276 = arith.constant 256 : i32
      %dma_wait3A_277 = tpu.memref_slice %arg5[%dma_wait3A_276] : memref<5376xi32, #tpu.memory_space<vmem>> -> memref<128xi32, #tpu.memory_space<vmem>>
      %dma_wait3A_278 = arith.constant 0 : i32
      %dma_wait3A_279 = tpu.memref_slice %arg2[%dma_wait3A_278] : memref<51380224xf32, #tpu.memory_space<hbm>> -> memref<51380224xf32, #tpu.memory_space<hbm>>
      tpu.wait_indirect_dma semaphore(%arg7 : memref<!tpu.dma_semaphore, #tpu.memory_space<semaphore_mem>>) src(%dma_wait3A_279 : memref<51380224xf32, #tpu.memory_space<hbm>>) dst(%dma_wait3A_275 : memref<128xf32, #tpu.memory_space<vmem>>)
      %dma_wait3A_280 = arith.constant 384 : i32
      %dma_wait3A_281 = tpu.memref_slice %arg6[%dma_wait3A_280] : memref<5376xf32, #tpu.memory_space<vmem>> -> memref<128xf32, #tpu.memory_space<vmem>>
      %dma_wait3A_282 = arith.constant 384 : i32
      %dma_wait3A_283 = tpu.memref_slice %arg5[%dma_wait3A_282] : memref<5376xi32, #tpu.memory_space<vmem>> -> memref<128xi32, #tpu.memory_space<vmem>>
      %dma_wait3A_284 = arith.constant 0 : i32
      %dma_wait3A_285 = tpu.memref_slice %arg2[%dma_wait3A_284] : memref<51380224xf32, #tpu.memory_space<hbm>> -> memref<51380224xf32, #tpu.memory_space<hbm>>
      tpu.wait_indirect_dma semaphore(%arg7 : memref<!tpu.dma_semaphore, #tpu.memory_space<semaphore_mem>>) src(%dma_wait3A_285 : memref<51380224xf32, #tpu.memory_space<hbm>>) dst(%dma_wait3A_281 : memref<128xf32, #tpu.memory_space<vmem>>)
      %dma_wait3A_286 = arith.constant 512 : i32
      %dma_wait3A_287 = tpu.memref_slice %arg6[%dma_wait3A_286] : memref<5376xf32, #tpu.memory_space<vmem>> -> memref<128xf32, #tpu.memory_space<vmem>>
      %dma_wait3A_288 = arith.constant 512 : i32
      %dma_wait3A_289 = tpu.memref_slice %arg5[%dma_wait3A_288] : memref<5376xi32, #tpu.memory_space<vmem>> -> memref<128xi32, #tpu.memory_space<vmem>>
      %dma_wait3A_290 = arith.constant 0 : i32
      %dma_wait3A_291 = tpu.memref_slice %arg2[%dma_wait3A_290] : memref<51380224xf32, #tpu.memory_space<hbm>> -> memref<51380224xf32, #tpu.memory_space<hbm>>
      tpu.wait_indirect_dma semaphore(%arg7 : memref<!tpu.dma_semaphore, #tpu.memory_space<semaphore_mem>>) src(%dma_wait3A_291 : memref<51380224xf32, #tpu.memory_space<hbm>>) dst(%dma_wait3A_287 : memref<128xf32, #tpu.memory_space<vmem>>)
      %dma_wait3A_292 = arith.constant 640 : i32
      %dma_wait3A_293 = tpu.memref_slice %arg6[%dma_wait3A_292] : memref<5376xf32, #tpu.memory_space<vmem>> -> memref<128xf32, #tpu.memory_space<vmem>>
      %dma_wait3A_294 = arith.constant 640 : i32
      %dma_wait3A_295 = tpu.memref_slice %arg5[%dma_wait3A_294] : memref<5376xi32, #tpu.memory_space<vmem>> -> memref<128xi32, #tpu.memory_space<vmem>>
      %dma_wait3A_296 = arith.constant 0 : i32
      %dma_wait3A_297 = tpu.memref_slice %arg2[%dma_wait3A_296] : memref<51380224xf32, #tpu.memory_space<hbm>> -> memref<51380224xf32, #tpu.memory_space<hbm>>
      tpu.wait_indirect_dma semaphore(%arg7 : memref<!tpu.dma_semaphore, #tpu.memory_space<semaphore_mem>>) src(%dma_wait3A_297 : memref<51380224xf32, #tpu.memory_space<hbm>>) dst(%dma_wait3A_293 : memref<128xf32, #tpu.memory_space<vmem>>)
      %dma_wait3A_298 = arith.constant 768 : i32
      %dma_wait3A_299 = tpu.memref_slice %arg6[%dma_wait3A_298] : memref<5376xf32, #tpu.memory_space<vmem>> -> memref<128xf32, #tpu.memory_space<vmem>>
      %dma_wait3A_300 = arith.constant 768 : i32
      %dma_wait3A_301 = tpu.memref_slice %arg5[%dma_wait3A_300] : memref<5376xi32, #tpu.memory_space<vmem>> -> memref<128xi32, #tpu.memory_space<vmem>>
      %dma_wait3A_302 = arith.constant 0 : i32
      %dma_wait3A_303 = tpu.memref_slice %arg2[%dma_wait3A_302] : memref<51380224xf32, #tpu.memory_space<hbm>> -> memref<51380224xf32, #tpu.memory_space<hbm>>
      tpu.wait_indirect_dma semaphore(%arg7 : memref<!tpu.dma_semaphore, #tpu.memory_space<semaphore_mem>>) src(%dma_wait3A_303 : memref<51380224xf32, #tpu.memory_space<hbm>>) dst(%dma_wait3A_299 : memref<128xf32, #tpu.memory_space<vmem>>)
      %dma_wait3A_304 = arith.constant 896 : i32
      %dma_wait3A_305 = tpu.memref_slice %arg6[%dma_wait3A_304] : memref<5376xf32, #tpu.memory_space<vmem>> -> memref<128xf32, #tpu.memory_space<vmem>>
      %dma_wait3A_306 = arith.constant 896 : i32
      %dma_wait3A_307 = tpu.memref_slice %arg5[%dma_wait3A_306] : memref<5376xi32, #tpu.memory_space<vmem>> -> memref<128xi32, #tpu.memory_space<vmem>>
      %dma_wait3A_308 = arith.constant 0 : i32
      %dma_wait3A_309 = tpu.memref_slice %arg2[%dma_wait3A_308] : memref<51380224xf32, #tpu.memory_space<hbm>> -> memref<51380224xf32, #tpu.memory_space<hbm>>
      tpu.wait_indirect_dma semaphore(%arg7 : memref<!tpu.dma_semaphore, #tpu.memory_space<semaphore_mem>>) src(%dma_wait3A_309 : memref<51380224xf32, #tpu.memory_space<hbm>>) dst(%dma_wait3A_305 : memref<128xf32, #tpu.memory_space<vmem>>)
      %dma_wait3A_310 = arith.constant 1024 : i32
      %dma_wait3A_311 = tpu.memref_slice %arg6[%dma_wait3A_310] : memref<5376xf32, #tpu.memory_space<vmem>> -> memref<128xf32, #tpu.memory_space<vmem>>
      %dma_wait3A_312 = arith.constant 1024 : i32
      %dma_wait3A_313 = tpu.memref_slice %arg5[%dma_wait3A_312] : memref<5376xi32, #tpu.memory_space<vmem>> -> memref<128xi32, #tpu.memory_space<vmem>>
      %dma_wait3A_314 = arith.constant 0 : i32
      %dma_wait3A_315 = tpu.memref_slice %arg2[%dma_wait3A_314] : memref<51380224xf32, #tpu.memory_space<hbm>> -> memref<51380224xf32, #tpu.memory_space<hbm>>
      tpu.wait_indirect_dma semaphore(%arg7 : memref<!tpu.dma_semaphore, #tpu.memory_space<semaphore_mem>>) src(%dma_wait3A_315 : memref<51380224xf32, #tpu.memory_space<hbm>>) dst(%dma_wait3A_311 : memref<128xf32, #tpu.memory_space<vmem>>)
      %dma_wait3A_316 = arith.constant 1152 : i32
      %dma_wait3A_317 = tpu.memref_slice %arg6[%dma_wait3A_316] : memref<5376xf32, #tpu.memory_space<vmem>> -> memref<128xf32, #tpu.memory_space<vmem>>
      %dma_wait3A_318 = arith.constant 1152 : i32
      %dma_wait3A_319 = tpu.memref_slice %arg5[%dma_wait3A_318] : memref<5376xi32, #tpu.memory_space<vmem>> -> memref<128xi32, #tpu.memory_space<vmem>>
      %dma_wait3A_320 = arith.constant 0 : i32
      %dma_wait3A_321 = tpu.memref_slice %arg2[%dma_wait3A_320] : memref<51380224xf32, #tpu.memory_space<hbm>> -> memref<51380224xf32, #tpu.memory_space<hbm>>
      tpu.wait_indirect_dma semaphore(%arg7 : memref<!tpu.dma_semaphore, #tpu.memory_space<semaphore_mem>>) src(%dma_wait3A_321 : memref<51380224xf32, #tpu.memory_space<hbm>>) dst(%dma_wait3A_317 : memref<128xf32, #tpu.memory_space<vmem>>)
      %dma_wait3A_322 = arith.constant 1280 : i32
      %dma_wait3A_323 = tpu.memref_slice %arg6[%dma_wait3A_322] : memref<5376xf32, #tpu.memory_space<vmem>> -> memref<128xf32, #tpu.memory_space<vmem>>
      %dma_wait3A_324 = arith.constant 1280 : i32
      %dma_wait3A_325 = tpu.memref_slice %arg5[%dma_wait3A_324] : memref<5376xi32, #tpu.memory_space<vmem>> -> memref<128xi32, #tpu.memory_space<vmem>>
      %dma_wait3A_326 = arith.constant 0 : i32
      %dma_wait3A_327 = tpu.memref_slice %arg2[%dma_wait3A_326] : memref<51380224xf32, #tpu.memory_space<hbm>> -> memref<51380224xf32, #tpu.memory_space<hbm>>
      tpu.wait_indirect_dma semaphore(%arg7 : memref<!tpu.dma_semaphore, #tpu.memory_space<semaphore_mem>>) src(%dma_wait3A_327 : memref<51380224xf32, #tpu.memory_space<hbm>>) dst(%dma_wait3A_323 : memref<128xf32, #tpu.memory_space<vmem>>)
      %dma_wait3A_328 = arith.constant 1408 : i32
      %dma_wait3A_329 = tpu.memref_slice %arg6[%dma_wait3A_328] : memref<5376xf32, #tpu.memory_space<vmem>> -> memref<128xf32, #tpu.memory_space<vmem>>
      %dma_wait3A_330 = arith.constant 1408 : i32
      %dma_wait3A_331 = tpu.memref_slice %arg5[%dma_wait3A_330] : memref<5376xi32, #tpu.memory_space<vmem>> -> memref<128xi32, #tpu.memory_space<vmem>>
      %dma_wait3A_332 = arith.constant 0 : i32
      %dma_wait3A_333 = tpu.memref_slice %arg2[%dma_wait3A_332] : memref<51380224xf32, #tpu.memory_space<hbm>> -> memref<51380224xf32, #tpu.memory_space<hbm>>
      tpu.wait_indirect_dma semaphore(%arg7 : memref<!tpu.dma_semaphore, #tpu.memory_space<semaphore_mem>>) src(%dma_wait3A_333 : memref<51380224xf32, #tpu.memory_space<hbm>>) dst(%dma_wait3A_329 : memref<128xf32, #tpu.memory_space<vmem>>)
      %dma_wait3A_334 = arith.constant 1536 : i32
      %dma_wait3A_335 = tpu.memref_slice %arg6[%dma_wait3A_334] : memref<5376xf32, #tpu.memory_space<vmem>> -> memref<128xf32, #tpu.memory_space<vmem>>
      %dma_wait3A_336 = arith.constant 1536 : i32
      %dma_wait3A_337 = tpu.memref_slice %arg5[%dma_wait3A_336] : memref<5376xi32, #tpu.memory_space<vmem>> -> memref<128xi32, #tpu.memory_space<vmem>>
      %dma_wait3A_338 = arith.constant 0 : i32
      %dma_wait3A_339 = tpu.memref_slice %arg2[%dma_wait3A_338] : memref<51380224xf32, #tpu.memory_space<hbm>> -> memref<51380224xf32, #tpu.memory_space<hbm>>
      tpu.wait_indirect_dma semaphore(%arg7 : memref<!tpu.dma_semaphore, #tpu.memory_space<semaphore_mem>>) src(%dma_wait3A_339 : memref<51380224xf32, #tpu.memory_space<hbm>>) dst(%dma_wait3A_335 : memref<128xf32, #tpu.memory_space<vmem>>)
      %dma_wait3A_340 = arith.constant 1664 : i32
      %dma_wait3A_341 = tpu.memref_slice %arg6[%dma_wait3A_340] : memref<5376xf32, #tpu.memory_space<vmem>> -> memref<128xf32, #tpu.memory_space<vmem>>
      %dma_wait3A_342 = arith.constant 1664 : i32
      %dma_wait3A_343 = tpu.memref_slice %arg5[%dma_wait3A_342] : memref<5376xi32, #tpu.memory_space<vmem>> -> memref<128xi32, #tpu.memory_space<vmem>>
      %dma_wait3A_344 = arith.constant 0 : i32
      %dma_wait3A_345 = tpu.memref_slice %arg2[%dma_wait3A_344] : memref<51380224xf32, #tpu.memory_space<hbm>> -> memref<51380224xf32, #tpu.memory_space<hbm>>
      tpu.wait_indirect_dma semaphore(%arg7 : memref<!tpu.dma_semaphore, #tpu.memory_space<semaphore_mem>>) src(%dma_wait3A_345 : memref<51380224xf32, #tpu.memory_space<hbm>>) dst(%dma_wait3A_341 : memref<128xf32, #tpu.memory_space<vmem>>)
      %dma_wait3A_346 = arith.constant 1792 : i32
      %dma_wait3A_347 = tpu.memref_slice %arg6[%dma_wait3A_346] : memref<5376xf32, #tpu.memory_space<vmem>> -> memref<128xf32, #tpu.memory_space<vmem>>
      %dma_wait3A_348 = arith.constant 1792 : i32
      %dma_wait3A_349 = tpu.memref_slice %arg5[%dma_wait3A_348] : memref<5376xi32, #tpu.memory_space<vmem>> -> memref<128xi32, #tpu.memory_space<vmem>>
      %dma_wait3A_350 = arith.constant 0 : i32
      %dma_wait3A_351 = tpu.memref_slice %arg2[%dma_wait3A_350] : memref<51380224xf32, #tpu.memory_space<hbm>> -> memref<51380224xf32, #tpu.memory_space<hbm>>
      tpu.wait_indirect_dma semaphore(%arg7 : memref<!tpu.dma_semaphore, #tpu.memory_space<semaphore_mem>>) src(%dma_wait3A_351 : memref<51380224xf32, #tpu.memory_space<hbm>>) dst(%dma_wait3A_347 : memref<128xf32, #tpu.memory_space<vmem>>)
      %dma_wait3A_352 = arith.constant 1920 : i32
      %dma_wait3A_353 = tpu.memref_slice %arg6[%dma_wait3A_352] : memref<5376xf32, #tpu.memory_space<vmem>> -> memref<128xf32, #tpu.memory_space<vmem>>
      %dma_wait3A_354 = arith.constant 1920 : i32
      %dma_wait3A_355 = tpu.memref_slice %arg5[%dma_wait3A_354] : memref<5376xi32, #tpu.memory_space<vmem>> -> memref<128xi32, #tpu.memory_space<vmem>>
      %dma_wait3A_356 = arith.constant 0 : i32
      %dma_wait3A_357 = tpu.memref_slice %arg2[%dma_wait3A_356] : memref<51380224xf32, #tpu.memory_space<hbm>> -> memref<51380224xf32, #tpu.memory_space<hbm>>
      tpu.wait_indirect_dma semaphore(%arg7 : memref<!tpu.dma_semaphore, #tpu.memory_space<semaphore_mem>>) src(%dma_wait3A_357 : memref<51380224xf32, #tpu.memory_space<hbm>>) dst(%dma_wait3A_353 : memref<128xf32, #tpu.memory_space<vmem>>)
      %dma_wait3A_358 = arith.constant 2048 : i32
      %dma_wait3A_359 = tpu.memref_slice %arg6[%dma_wait3A_358] : memref<5376xf32, #tpu.memory_space<vmem>> -> memref<128xf32, #tpu.memory_space<vmem>>
      %dma_wait3A_360 = arith.constant 2048 : i32
      %dma_wait3A_361 = tpu.memref_slice %arg5[%dma_wait3A_360] : memref<5376xi32, #tpu.memory_space<vmem>> -> memref<128xi32, #tpu.memory_space<vmem>>
      %dma_wait3A_362 = arith.constant 0 : i32
      %dma_wait3A_363 = tpu.memref_slice %arg2[%dma_wait3A_362] : memref<51380224xf32, #tpu.memory_space<hbm>> -> memref<51380224xf32, #tpu.memory_space<hbm>>
      tpu.wait_indirect_dma semaphore(%arg7 : memref<!tpu.dma_semaphore, #tpu.memory_space<semaphore_mem>>) src(%dma_wait3A_363 : memref<51380224xf32, #tpu.memory_space<hbm>>) dst(%dma_wait3A_359 : memref<128xf32, #tpu.memory_space<vmem>>)
      %dma_wait3A_364 = arith.constant 2176 : i32
      %dma_wait3A_365 = tpu.memref_slice %arg6[%dma_wait3A_364] : memref<5376xf32, #tpu.memory_space<vmem>> -> memref<128xf32, #tpu.memory_space<vmem>>
      %dma_wait3A_366 = arith.constant 2176 : i32
      %dma_wait3A_367 = tpu.memref_slice %arg5[%dma_wait3A_366] : memref<5376xi32, #tpu.memory_space<vmem>> -> memref<128xi32, #tpu.memory_space<vmem>>
      %dma_wait3A_368 = arith.constant 0 : i32
      %dma_wait3A_369 = tpu.memref_slice %arg2[%dma_wait3A_368] : memref<51380224xf32, #tpu.memory_space<hbm>> -> memref<51380224xf32, #tpu.memory_space<hbm>>
      tpu.wait_indirect_dma semaphore(%arg7 : memref<!tpu.dma_semaphore, #tpu.memory_space<semaphore_mem>>) src(%dma_wait3A_369 : memref<51380224xf32, #tpu.memory_space<hbm>>) dst(%dma_wait3A_365 : memref<128xf32, #tpu.memory_space<vmem>>)
      %dma_wait3A_370 = arith.constant 2304 : i32
      %dma_wait3A_371 = tpu.memref_slice %arg6[%dma_wait3A_370] : memref<5376xf32, #tpu.memory_space<vmem>> -> memref<128xf32, #tpu.memory_space<vmem>>
      %dma_wait3A_372 = arith.constant 2304 : i32
      %dma_wait3A_373 = tpu.memref_slice %arg5[%dma_wait3A_372] : memref<5376xi32, #tpu.memory_space<vmem>> -> memref<128xi32, #tpu.memory_space<vmem>>
      %dma_wait3A_374 = arith.constant 0 : i32
      %dma_wait3A_375 = tpu.memref_slice %arg2[%dma_wait3A_374] : memref<51380224xf32, #tpu.memory_space<hbm>> -> memref<51380224xf32, #tpu.memory_space<hbm>>
      tpu.wait_indirect_dma semaphore(%arg7 : memref<!tpu.dma_semaphore, #tpu.memory_space<semaphore_mem>>) src(%dma_wait3A_375 : memref<51380224xf32, #tpu.memory_space<hbm>>) dst(%dma_wait3A_371 : memref<128xf32, #tpu.memory_space<vmem>>)
      %dma_wait3A_376 = arith.constant 2432 : i32
      %dma_wait3A_377 = tpu.memref_slice %arg6[%dma_wait3A_376] : memref<5376xf32, #tpu.memory_space<vmem>> -> memref<128xf32, #tpu.memory_space<vmem>>
      %dma_wait3A_378 = arith.constant 2432 : i32
      %dma_wait3A_379 = tpu.memref_slice %arg5[%dma_wait3A_378] : memref<5376xi32, #tpu.memory_space<vmem>> -> memref<128xi32, #tpu.memory_space<vmem>>
      %dma_wait3A_380 = arith.constant 0 : i32
      %dma_wait3A_381 = tpu.memref_slice %arg2[%dma_wait3A_380] : memref<51380224xf32, #tpu.memory_space<hbm>> -> memref<51380224xf32, #tpu.memory_space<hbm>>
      tpu.wait_indirect_dma semaphore(%arg7 : memref<!tpu.dma_semaphore, #tpu.memory_space<semaphore_mem>>) src(%dma_wait3A_381 : memref<51380224xf32, #tpu.memory_space<hbm>>) dst(%dma_wait3A_377 : memref<128xf32, #tpu.memory_space<vmem>>)
      %dma_wait3A_382 = arith.constant 2560 : i32
      %dma_wait3A_383 = tpu.memref_slice %arg6[%dma_wait3A_382] : memref<5376xf32, #tpu.memory_space<vmem>> -> memref<128xf32, #tpu.memory_space<vmem>>
      %dma_wait3A_384 = arith.constant 2560 : i32
      %dma_wait3A_385 = tpu.memref_slice %arg5[%dma_wait3A_384] : memref<5376xi32, #tpu.memory_space<vmem>> -> memref<128xi32, #tpu.memory_space<vmem>>
      %dma_wait3A_386 = arith.constant 0 : i32
      %dma_wait3A_387 = tpu.memref_slice %arg2[%dma_wait3A_386] : memref<51380224xf32, #tpu.memory_space<hbm>> -> memref<51380224xf32, #tpu.memory_space<hbm>>
      tpu.wait_indirect_dma semaphore(%arg7 : memref<!tpu.dma_semaphore, #tpu.memory_space<semaphore_mem>>) src(%dma_wait3A_387 : memref<51380224xf32, #tpu.memory_space<hbm>>) dst(%dma_wait3A_383 : memref<128xf32, #tpu.memory_space<vmem>>)
      %dma_wait3A_388 = arith.constant 2688 : i32
      %dma_wait3A_389 = tpu.memref_slice %arg6[%dma_wait3A_388] : memref<5376xf32, #tpu.memory_space<vmem>> -> memref<128xf32, #tpu.memory_space<vmem>>
      %dma_wait3A_390 = arith.constant 2688 : i32
      %dma_wait3A_391 = tpu.memref_slice %arg5[%dma_wait3A_390] : memref<5376xi32, #tpu.memory_space<vmem>> -> memref<128xi32, #tpu.memory_space<vmem>>
      %dma_wait3A_392 = arith.constant 0 : i32
      %dma_wait3A_393 = tpu.memref_slice %arg2[%dma_wait3A_392] : memref<51380224xf32, #tpu.memory_space<hbm>> -> memref<51380224xf32, #tpu.memory_space<hbm>>
      tpu.wait_indirect_dma semaphore(%arg7 : memref<!tpu.dma_semaphore, #tpu.memory_space<semaphore_mem>>) src(%dma_wait3A_393 : memref<51380224xf32, #tpu.memory_space<hbm>>) dst(%dma_wait3A_389 : memref<128xf32, #tpu.memory_space<vmem>>)
      %dma_wait3A_394 = arith.constant 2816 : i32
      %dma_wait3A_395 = tpu.memref_slice %arg6[%dma_wait3A_394] : memref<5376xf32, #tpu.memory_space<vmem>> -> memref<128xf32, #tpu.memory_space<vmem>>
      %dma_wait3A_396 = arith.constant 2816 : i32
      %dma_wait3A_397 = tpu.memref_slice %arg5[%dma_wait3A_396] : memref<5376xi32, #tpu.memory_space<vmem>> -> memref<128xi32, #tpu.memory_space<vmem>>
      %dma_wait3A_398 = arith.constant 0 : i32
      %dma_wait3A_399 = tpu.memref_slice %arg2[%dma_wait3A_398] : memref<51380224xf32, #tpu.memory_space<hbm>> -> memref<51380224xf32, #tpu.memory_space<hbm>>
      tpu.wait_indirect_dma semaphore(%arg7 : memref<!tpu.dma_semaphore, #tpu.memory_space<semaphore_mem>>) src(%dma_wait3A_399 : memref<51380224xf32, #tpu.memory_space<hbm>>) dst(%dma_wait3A_395 : memref<128xf32, #tpu.memory_space<vmem>>)
      %dma_wait3A_400 = arith.constant 2944 : i32
      %dma_wait3A_401 = tpu.memref_slice %arg6[%dma_wait3A_400] : memref<5376xf32, #tpu.memory_space<vmem>> -> memref<128xf32, #tpu.memory_space<vmem>>
      %dma_wait3A_402 = arith.constant 2944 : i32
      %dma_wait3A_403 = tpu.memref_slice %arg5[%dma_wait3A_402] : memref<5376xi32, #tpu.memory_space<vmem>> -> memref<128xi32, #tpu.memory_space<vmem>>
      %dma_wait3A_404 = arith.constant 0 : i32
      %dma_wait3A_405 = tpu.memref_slice %arg2[%dma_wait3A_404] : memref<51380224xf32, #tpu.memory_space<hbm>> -> memref<51380224xf32, #tpu.memory_space<hbm>>
      tpu.wait_indirect_dma semaphore(%arg7 : memref<!tpu.dma_semaphore, #tpu.memory_space<semaphore_mem>>) src(%dma_wait3A_405 : memref<51380224xf32, #tpu.memory_space<hbm>>) dst(%dma_wait3A_401 : memref<128xf32, #tpu.memory_space<vmem>>)
      %dma_wait3A_406 = arith.constant 3072 : i32
      %dma_wait3A_407 = tpu.memref_slice %arg6[%dma_wait3A_406] : memref<5376xf32, #tpu.memory_space<vmem>> -> memref<128xf32, #tpu.memory_space<vmem>>
      %dma_wait3A_408 = arith.constant 3072 : i32
      %dma_wait3A_409 = tpu.memref_slice %arg5[%dma_wait3A_408] : memref<5376xi32, #tpu.memory_space<vmem>> -> memref<128xi32, #tpu.memory_space<vmem>>
      %dma_wait3A_410 = arith.constant 0 : i32
      %dma_wait3A_411 = tpu.memref_slice %arg2[%dma_wait3A_410] : memref<51380224xf32, #tpu.memory_space<hbm>> -> memref<51380224xf32, #tpu.memory_space<hbm>>
      tpu.wait_indirect_dma semaphore(%arg7 : memref<!tpu.dma_semaphore, #tpu.memory_space<semaphore_mem>>) src(%dma_wait3A_411 : memref<51380224xf32, #tpu.memory_space<hbm>>) dst(%dma_wait3A_407 : memref<128xf32, #tpu.memory_space<vmem>>)
      %dma_wait3A_412 = arith.constant 3200 : i32
      %dma_wait3A_413 = tpu.memref_slice %arg6[%dma_wait3A_412] : memref<5376xf32, #tpu.memory_space<vmem>> -> memref<128xf32, #tpu.memory_space<vmem>>
      %dma_wait3A_414 = arith.constant 3200 : i32
      %dma_wait3A_415 = tpu.memref_slice %arg5[%dma_wait3A_414] : memref<5376xi32, #tpu.memory_space<vmem>> -> memref<128xi32, #tpu.memory_space<vmem>>
      %dma_wait3A_416 = arith.constant 0 : i32
      %dma_wait3A_417 = tpu.memref_slice %arg2[%dma_wait3A_416] : memref<51380224xf32, #tpu.memory_space<hbm>> -> memref<51380224xf32, #tpu.memory_space<hbm>>
      tpu.wait_indirect_dma semaphore(%arg7 : memref<!tpu.dma_semaphore, #tpu.memory_space<semaphore_mem>>) src(%dma_wait3A_417 : memref<51380224xf32, #tpu.memory_space<hbm>>) dst(%dma_wait3A_413 : memref<128xf32, #tpu.memory_space<vmem>>)
      %dma_wait3A_418 = arith.constant 3328 : i32
      %dma_wait3A_419 = tpu.memref_slice %arg6[%dma_wait3A_418] : memref<5376xf32, #tpu.memory_space<vmem>> -> memref<128xf32, #tpu.memory_space<vmem>>
      %dma_wait3A_420 = arith.constant 3328 : i32
      %dma_wait3A_421 = tpu.memref_slice %arg5[%dma_wait3A_420] : memref<5376xi32, #tpu.memory_space<vmem>> -> memref<128xi32, #tpu.memory_space<vmem>>
      %dma_wait3A_422 = arith.constant 0 : i32
      %dma_wait3A_423 = tpu.memref_slice %arg2[%dma_wait3A_422] : memref<51380224xf32, #tpu.memory_space<hbm>> -> memref<51380224xf32, #tpu.memory_space<hbm>>
      tpu.wait_indirect_dma semaphore(%arg7 : memref<!tpu.dma_semaphore, #tpu.memory_space<semaphore_mem>>) src(%dma_wait3A_423 : memref<51380224xf32, #tpu.memory_space<hbm>>) dst(%dma_wait3A_419 : memref<128xf32, #tpu.memory_space<vmem>>)
      %dma_wait3A_424 = arith.constant 3456 : i32
      %dma_wait3A_425 = tpu.memref_slice %arg6[%dma_wait3A_424] : memref<5376xf32, #tpu.memory_space<vmem>> -> memref<128xf32, #tpu.memory_space<vmem>>
      %dma_wait3A_426 = arith.constant 3456 : i32
      %dma_wait3A_427 = tpu.memref_slice %arg5[%dma_wait3A_426] : memref<5376xi32, #tpu.memory_space<vmem>> -> memref<128xi32, #tpu.memory_space<vmem>>
      %dma_wait3A_428 = arith.constant 0 : i32
      %dma_wait3A_429 = tpu.memref_slice %arg2[%dma_wait3A_428] : memref<51380224xf32, #tpu.memory_space<hbm>> -> memref<51380224xf32, #tpu.memory_space<hbm>>
      tpu.wait_indirect_dma semaphore(%arg7 : memref<!tpu.dma_semaphore, #tpu.memory_space<semaphore_mem>>) src(%dma_wait3A_429 : memref<51380224xf32, #tpu.memory_space<hbm>>) dst(%dma_wait3A_425 : memref<128xf32, #tpu.memory_space<vmem>>)
      %dma_wait3A_430 = arith.constant 3584 : i32
      %dma_wait3A_431 = tpu.memref_slice %arg6[%dma_wait3A_430] : memref<5376xf32, #tpu.memory_space<vmem>> -> memref<128xf32, #tpu.memory_space<vmem>>
      %dma_wait3A_432 = arith.constant 3584 : i32
      %dma_wait3A_433 = tpu.memref_slice %arg5[%dma_wait3A_432] : memref<5376xi32, #tpu.memory_space<vmem>> -> memref<128xi32, #tpu.memory_space<vmem>>
      %dma_wait3A_434 = arith.constant 0 : i32
      %dma_wait3A_435 = tpu.memref_slice %arg2[%dma_wait3A_434] : memref<51380224xf32, #tpu.memory_space<hbm>> -> memref<51380224xf32, #tpu.memory_space<hbm>>
      tpu.wait_indirect_dma semaphore(%arg7 : memref<!tpu.dma_semaphore, #tpu.memory_space<semaphore_mem>>) src(%dma_wait3A_435 : memref<51380224xf32, #tpu.memory_space<hbm>>) dst(%dma_wait3A_431 : memref<128xf32, #tpu.memory_space<vmem>>)
      %dma_wait3A_436 = arith.constant 3712 : i32
      %dma_wait3A_437 = tpu.memref_slice %arg6[%dma_wait3A_436] : memref<5376xf32, #tpu.memory_space<vmem>> -> memref<128xf32, #tpu.memory_space<vmem>>
      %dma_wait3A_438 = arith.constant 3712 : i32
      %dma_wait3A_439 = tpu.memref_slice %arg5[%dma_wait3A_438] : memref<5376xi32, #tpu.memory_space<vmem>> -> memref<128xi32, #tpu.memory_space<vmem>>
      %dma_wait3A_440 = arith.constant 0 : i32
      %dma_wait3A_441 = tpu.memref_slice %arg2[%dma_wait3A_440] : memref<51380224xf32, #tpu.memory_space<hbm>> -> memref<51380224xf32, #tpu.memory_space<hbm>>
      tpu.wait_indirect_dma semaphore(%arg7 : memref<!tpu.dma_semaphore, #tpu.memory_space<semaphore_mem>>) src(%dma_wait3A_441 : memref<51380224xf32, #tpu.memory_space<hbm>>) dst(%dma_wait3A_437 : memref<128xf32, #tpu.memory_space<vmem>>)
      %dma_wait3A_442 = arith.constant 3840 : i32
      %dma_wait3A_443 = tpu.memref_slice %arg6[%dma_wait3A_442] : memref<5376xf32, #tpu.memory_space<vmem>> -> memref<128xf32, #tpu.memory_space<vmem>>
      %dma_wait3A_444 = arith.constant 3840 : i32
      %dma_wait3A_445 = tpu.memref_slice %arg5[%dma_wait3A_444] : memref<5376xi32, #tpu.memory_space<vmem>> -> memref<128xi32, #tpu.memory_space<vmem>>
      %dma_wait3A_446 = arith.constant 0 : i32
      %dma_wait3A_447 = tpu.memref_slice %arg2[%dma_wait3A_446] : memref<51380224xf32, #tpu.memory_space<hbm>> -> memref<51380224xf32, #tpu.memory_space<hbm>>
      tpu.wait_indirect_dma semaphore(%arg7 : memref<!tpu.dma_semaphore, #tpu.memory_space<semaphore_mem>>) src(%dma_wait3A_447 : memref<51380224xf32, #tpu.memory_space<hbm>>) dst(%dma_wait3A_443 : memref<128xf32, #tpu.memory_space<vmem>>)
      %dma_wait3A_448 = arith.constant 3968 : i32
      %dma_wait3A_449 = tpu.memref_slice %arg6[%dma_wait3A_448] : memref<5376xf32, #tpu.memory_space<vmem>> -> memref<128xf32, #tpu.memory_space<vmem>>
      %dma_wait3A_450 = arith.constant 3968 : i32
      %dma_wait3A_451 = tpu.memref_slice %arg5[%dma_wait3A_450] : memref<5376xi32, #tpu.memory_space<vmem>> -> memref<128xi32, #tpu.memory_space<vmem>>
      %dma_wait3A_452 = arith.constant 0 : i32
      %dma_wait3A_453 = tpu.memref_slice %arg2[%dma_wait3A_452] : memref<51380224xf32, #tpu.memory_space<hbm>> -> memref<51380224xf32, #tpu.memory_space<hbm>>
      tpu.wait_indirect_dma semaphore(%arg7 : memref<!tpu.dma_semaphore, #tpu.memory_space<semaphore_mem>>) src(%dma_wait3A_453 : memref<51380224xf32, #tpu.memory_space<hbm>>) dst(%dma_wait3A_449 : memref<128xf32, #tpu.memory_space<vmem>>)
      %dma_wait3A_454 = arith.constant 4096 : i32
      %dma_wait3A_455 = tpu.memref_slice %arg6[%dma_wait3A_454] : memref<5376xf32, #tpu.memory_space<vmem>> -> memref<128xf32, #tpu.memory_space<vmem>>
      %dma_wait3A_456 = arith.constant 4096 : i32
      %dma_wait3A_457 = tpu.memref_slice %arg5[%dma_wait3A_456] : memref<5376xi32, #tpu.memory_space<vmem>> -> memref<128xi32, #tpu.memory_space<vmem>>
      %dma_wait3A_458 = arith.constant 0 : i32
      %dma_wait3A_459 = tpu.memref_slice %arg2[%dma_wait3A_458] : memref<51380224xf32, #tpu.memory_space<hbm>> -> memref<51380224xf32, #tpu.memory_space<hbm>>
      tpu.wait_indirect_dma semaphore(%arg7 : memref<!tpu.dma_semaphore, #tpu.memory_space<semaphore_mem>>) src(%dma_wait3A_459 : memref<51380224xf32, #tpu.memory_space<hbm>>) dst(%dma_wait3A_455 : memref<128xf32, #tpu.memory_space<vmem>>)
      %dma_wait3A_460 = arith.constant 4224 : i32
      %dma_wait3A_461 = tpu.memref_slice %arg6[%dma_wait3A_460] : memref<5376xf32, #tpu.memory_space<vmem>> -> memref<128xf32, #tpu.memory_space<vmem>>
      %dma_wait3A_462 = arith.constant 4224 : i32
      %dma_wait3A_463 = tpu.memref_slice %arg5[%dma_wait3A_462] : memref<5376xi32, #tpu.memory_space<vmem>> -> memref<128xi32, #tpu.memory_space<vmem>>
      %dma_wait3A_464 = arith.constant 0 : i32
      %dma_wait3A_465 = tpu.memref_slice %arg2[%dma_wait3A_464] : memref<51380224xf32, #tpu.memory_space<hbm>> -> memref<51380224xf32, #tpu.memory_space<hbm>>
      tpu.wait_indirect_dma semaphore(%arg7 : memref<!tpu.dma_semaphore, #tpu.memory_space<semaphore_mem>>) src(%dma_wait3A_465 : memref<51380224xf32, #tpu.memory_space<hbm>>) dst(%dma_wait3A_461 : memref<128xf32, #tpu.memory_space<vmem>>)
      %dma_wait3A_466 = arith.constant 4352 : i32
      %dma_wait3A_467 = tpu.memref_slice %arg6[%dma_wait3A_466] : memref<5376xf32, #tpu.memory_space<vmem>> -> memref<128xf32, #tpu.memory_space<vmem>>
      %dma_wait3A_468 = arith.constant 4352 : i32
      %dma_wait3A_469 = tpu.memref_slice %arg5[%dma_wait3A_468] : memref<5376xi32, #tpu.memory_space<vmem>> -> memref<128xi32, #tpu.memory_space<vmem>>
      %dma_wait3A_470 = arith.constant 0 : i32
      %dma_wait3A_471 = tpu.memref_slice %arg2[%dma_wait3A_470] : memref<51380224xf32, #tpu.memory_space<hbm>> -> memref<51380224xf32, #tpu.memory_space<hbm>>
      tpu.wait_indirect_dma semaphore(%arg7 : memref<!tpu.dma_semaphore, #tpu.memory_space<semaphore_mem>>) src(%dma_wait3A_471 : memref<51380224xf32, #tpu.memory_space<hbm>>) dst(%dma_wait3A_467 : memref<128xf32, #tpu.memory_space<vmem>>)
      %dma_wait3A_472 = arith.constant 4480 : i32
      %dma_wait3A_473 = tpu.memref_slice %arg6[%dma_wait3A_472] : memref<5376xf32, #tpu.memory_space<vmem>> -> memref<128xf32, #tpu.memory_space<vmem>>
      %dma_wait3A_474 = arith.constant 4480 : i32
      %dma_wait3A_475 = tpu.memref_slice %arg5[%dma_wait3A_474] : memref<5376xi32, #tpu.memory_space<vmem>> -> memref<128xi32, #tpu.memory_space<vmem>>
      %dma_wait3A_476 = arith.constant 0 : i32
      %dma_wait3A_477 = tpu.memref_slice %arg2[%dma_wait3A_476] : memref<51380224xf32, #tpu.memory_space<hbm>> -> memref<51380224xf32, #tpu.memory_space<hbm>>
      tpu.wait_indirect_dma semaphore(%arg7 : memref<!tpu.dma_semaphore, #tpu.memory_space<semaphore_mem>>) src(%dma_wait3A_477 : memref<51380224xf32, #tpu.memory_space<hbm>>) dst(%dma_wait3A_473 : memref<128xf32, #tpu.memory_space<vmem>>)
      %dma_wait3A_478 = arith.constant 4608 : i32
      %dma_wait3A_479 = tpu.memref_slice %arg6[%dma_wait3A_478] : memref<5376xf32, #tpu.memory_space<vmem>> -> memref<128xf32, #tpu.memory_space<vmem>>
      %dma_wait3A_480 = arith.constant 4608 : i32
      %dma_wait3A_481 = tpu.memref_slice %arg5[%dma_wait3A_480] : memref<5376xi32, #tpu.memory_space<vmem>> -> memref<128xi32, #tpu.memory_space<vmem>>
      %dma_wait3A_482 = arith.constant 0 : i32
      %dma_wait3A_483 = tpu.memref_slice %arg2[%dma_wait3A_482] : memref<51380224xf32, #tpu.memory_space<hbm>> -> memref<51380224xf32, #tpu.memory_space<hbm>>
      tpu.wait_indirect_dma semaphore(%arg7 : memref<!tpu.dma_semaphore, #tpu.memory_space<semaphore_mem>>) src(%dma_wait3A_483 : memref<51380224xf32, #tpu.memory_space<hbm>>) dst(%dma_wait3A_479 : memref<128xf32, #tpu.memory_space<vmem>>)
      %dma_wait3A_484 = arith.constant 4736 : i32
      %dma_wait3A_485 = tpu.memref_slice %arg6[%dma_wait3A_484] : memref<5376xf32, #tpu.memory_space<vmem>> -> memref<128xf32, #tpu.memory_space<vmem>>
      %dma_wait3A_486 = arith.constant 4736 : i32
      %dma_wait3A_487 = tpu.memref_slice %arg5[%dma_wait3A_486] : memref<5376xi32, #tpu.memory_space<vmem>> -> memref<128xi32, #tpu.memory_space<vmem>>
      %dma_wait3A_488 = arith.constant 0 : i32
      %dma_wait3A_489 = tpu.memref_slice %arg2[%dma_wait3A_488] : memref<51380224xf32, #tpu.memory_space<hbm>> -> memref<51380224xf32, #tpu.memory_space<hbm>>
      tpu.wait_indirect_dma semaphore(%arg7 : memref<!tpu.dma_semaphore, #tpu.memory_space<semaphore_mem>>) src(%dma_wait3A_489 : memref<51380224xf32, #tpu.memory_space<hbm>>) dst(%dma_wait3A_485 : memref<128xf32, #tpu.memory_space<vmem>>)
      %dma_wait3A_490 = arith.constant 4864 : i32
      %dma_wait3A_491 = tpu.memref_slice %arg6[%dma_wait3A_490] : memref<5376xf32, #tpu.memory_space<vmem>> -> memref<128xf32, #tpu.memory_space<vmem>>
      %dma_wait3A_492 = arith.constant 4864 : i32
      %dma_wait3A_493 = tpu.memref_slice %arg5[%dma_wait3A_492] : memref<5376xi32, #tpu.memory_space<vmem>> -> memref<128xi32, #tpu.memory_space<vmem>>
      %dma_wait3A_494 = arith.constant 0 : i32
      %dma_wait3A_495 = tpu.memref_slice %arg2[%dma_wait3A_494] : memref<51380224xf32, #tpu.memory_space<hbm>> -> memref<51380224xf32, #tpu.memory_space<hbm>>
      tpu.wait_indirect_dma semaphore(%arg7 : memref<!tpu.dma_semaphore, #tpu.memory_space<semaphore_mem>>) src(%dma_wait3A_495 : memref<51380224xf32, #tpu.memory_space<hbm>>) dst(%dma_wait3A_491 : memref<128xf32, #tpu.memory_space<vmem>>)
      %dma_wait3A_496 = arith.constant 4992 : i32
      %dma_wait3A_497 = tpu.memref_slice %arg6[%dma_wait3A_496] : memref<5376xf32, #tpu.memory_space<vmem>> -> memref<128xf32, #tpu.memory_space<vmem>>
      %dma_wait3A_498 = arith.constant 4992 : i32
      %dma_wait3A_499 = tpu.memref_slice %arg5[%dma_wait3A_498] : memref<5376xi32, #tpu.memory_space<vmem>> -> memref<128xi32, #tpu.memory_space<vmem>>
      %dma_wait3A_500 = arith.constant 0 : i32
      %dma_wait3A_501 = tpu.memref_slice %arg2[%dma_wait3A_500] : memref<51380224xf32, #tpu.memory_space<hbm>> -> memref<51380224xf32, #tpu.memory_space<hbm>>
      tpu.wait_indirect_dma semaphore(%arg7 : memref<!tpu.dma_semaphore, #tpu.memory_space<semaphore_mem>>) src(%dma_wait3A_501 : memref<51380224xf32, #tpu.memory_space<hbm>>) dst(%dma_wait3A_497 : memref<128xf32, #tpu.memory_space<vmem>>)
      %dma_wait3A_502 = arith.constant 5120 : i32
      %dma_wait3A_503 = tpu.memref_slice %arg6[%dma_wait3A_502] : memref<5376xf32, #tpu.memory_space<vmem>> -> memref<128xf32, #tpu.memory_space<vmem>>
      %dma_wait3A_504 = arith.constant 5120 : i32
      %dma_wait3A_505 = tpu.memref_slice %arg5[%dma_wait3A_504] : memref<5376xi32, #tpu.memory_space<vmem>> -> memref<128xi32, #tpu.memory_space<vmem>>
      %dma_wait3A_506 = arith.constant 0 : i32
      %dma_wait3A_507 = tpu.memref_slice %arg2[%dma_wait3A_506] : memref<51380224xf32, #tpu.memory_space<hbm>> -> memref<51380224xf32, #tpu.memory_space<hbm>>
      tpu.wait_indirect_dma semaphore(%arg7 : memref<!tpu.dma_semaphore, #tpu.memory_space<semaphore_mem>>) src(%dma_wait3A_507 : memref<51380224xf32, #tpu.memory_space<hbm>>) dst(%dma_wait3A_503 : memref<128xf32, #tpu.memory_space<vmem>>)
      %dma_wait3A_508 = arith.constant 5248 : i32
      %dma_wait3A_509 = tpu.memref_slice %arg6[%dma_wait3A_508] : memref<5376xf32, #tpu.memory_space<vmem>> -> memref<128xf32, #tpu.memory_space<vmem>>
      %dma_wait3A_510 = arith.constant 5248 : i32
      %dma_wait3A_511 = tpu.memref_slice %arg5[%dma_wait3A_510] : memref<5376xi32, #tpu.memory_space<vmem>> -> memref<128xi32, #tpu.memory_space<vmem>>
      %dma_wait3A_512 = arith.constant 0 : i32
      %dma_wait3A_513 = tpu.memref_slice %arg2[%dma_wait3A_512] : memref<51380224xf32, #tpu.memory_space<hbm>> -> memref<51380224xf32, #tpu.memory_space<hbm>>
      tpu.wait_indirect_dma semaphore(%arg7 : memref<!tpu.dma_semaphore, #tpu.memory_space<semaphore_mem>>) src(%dma_wait3A_513 : memref<51380224xf32, #tpu.memory_space<hbm>>) dst(%dma_wait3A_509 : memref<128xf32, #tpu.memory_space<vmem>>)
      "tpu.region"() ({
        %run_scoped3A = tpu.sem_alloc : memref<!tpu.dma_semaphore, #tpu.memory_space<semaphore_mem>>
        %dma_start3A_515 = arith.constant 0 : i32
        %dma_start3A_516 = tpu.memref_slice %arg4[%add3A_11, %dma_start3A_515] : memref<512x5376xf32, #tpu.memory_space<hbm>> -> memref<1x5376xf32, #tpu.memory_space<hbm>>
        %dma_start3A_517 = tpu.memref_squeeze %dma_start3A_516 : memref<1x5376xf32, #tpu.memory_space<hbm>> -> memref<5376xf32, #tpu.memory_space<hbm>>
        %dma_start3A_518 = arith.constant 0 : i32
        %dma_start3A_519 = tpu.memref_slice %arg4[%add3A_11, %dma_start3A_518] : memref<512x5376xf32, #tpu.memory_space<hbm>> -> memref<1x5376xf32, #tpu.memory_space<hbm>>
        %dma_start3A_520 = tpu.memref_squeeze %dma_start3A_519 : memref<1x5376xf32, #tpu.memory_space<hbm>> -> memref<5376xf32, #tpu.memory_space<hbm>>
        tpu.enqueue_dma source(%arg6 : memref<5376xf32, #tpu.memory_space<vmem>>) target(%dma_start3A_520 : memref<5376xf32, #tpu.memory_space<hbm>>) target_semaphore(%run_scoped3A : memref<!tpu.dma_semaphore, #tpu.memory_space<semaphore_mem>>)
        %dma_wait3A_521 = arith.constant 0 : i32
        %dma_wait3A_522 = tpu.memref_slice %arg4[%add3A_11, %dma_wait3A_521] : memref<512x5376xf32, #tpu.memory_space<hbm>> -> memref<1x5376xf32, #tpu.memory_space<hbm>>
        %dma_wait3A_523 = tpu.memref_squeeze %dma_wait3A_522 : memref<1x5376xf32, #tpu.memory_space<hbm>> -> memref<5376xf32, #tpu.memory_space<hbm>>
        %dma_wait3A_524 = arith.constant 0 : i32
        %dma_wait3A_525 = tpu.memref_slice %arg4[%add3A_11, %dma_wait3A_524] : memref<512x5376xf32, #tpu.memory_space<hbm>> -> memref<1x5376xf32, #tpu.memory_space<hbm>>
        %dma_wait3A_526 = tpu.memref_squeeze %dma_wait3A_525 : memref<1x5376xf32, #tpu.memory_space<hbm>> -> memref<5376xf32, #tpu.memory_space<hbm>>
        tpu.wait_dma2 semaphore(%run_scoped3A : memref<!tpu.dma_semaphore, #tpu.memory_space<semaphore_mem>>) src(%arg6 : memref<5376xf32, #tpu.memory_space<vmem>>) dst(%dma_wait3A_526 : memref<5376xf32, #tpu.memory_space<hbm>>)
        tpu.yield
      }) : () -> ()
      %scan3A_514 = arith.constant 0 : i32
      scf.yield %scan3A_514 : i32
    }
    %scan3A_6 = arith.constant 16 : i32
    return
  }
}

module attributes {stable_mosaic.version = 14 : i64} {
  func.func @_k1_body(%arg0: i32, %arg1: memref<512x128xf32, #tpu.memory_space<vmem>>, %arg2: memref<2048x128xf32, #tpu.memory_space<vmem>>, %arg3: memref<512x2048xf32, #tpu.memory_space<vmem>>, %arg4: memref<512x1024xf32, #tpu.memory_space<vmem>>) attributes {dimension_semantics = [#tpu.dimension_semantics<arbitrary>], iteration_bounds = array<i64: 49>, scalar_prefetch = 0 : i64, scratch_operands = 0 : i64, tpu.core_type = #tpu.core_type<tc>, window_params = [{pipeline_mode = #tpu.pipeline_mode<synchronous>, transform_indices = @transform_0, window_bounds = array<i64: 512, 128>}, {transform_indices = @transform_1, window_bounds = array<i64: 2048, 128>}, {transform_indices = @transform_2, window_bounds = array<i64: 512, 2048>}, {pipeline_mode = #tpu.pipeline_mode<synchronous>, transform_indices = @transform_3, window_bounds = array<i64: 512, 1024>}]} {
    %get3A = arith.constant 0 : index
    %get3A_0 = arith.constant 0 : index
    %get3A_1 = vector.load %arg2[%get3A, %get3A_0] : memref<2048x128xf32, #tpu.memory_space<vmem>>, vector<2048x128xf32>
    %get3A_2 = arith.constant 0 : index
    %get3A_3 = arith.constant 0 : index
    %get3A_4 = vector.load %arg1[%get3A_2, %get3A_3] : memref<512x128xf32, #tpu.memory_space<vmem>>, vector<512x128xf32>
    %dot_general3A = arith.constant dense<0.000000e+00> : vector<512x2048xf32>
    %dot_general3A_5 = tpu.matmul %get3A_4, %get3A_1, %dot_general3A {dimension_numbers = #tpu.dot_dimension_numbers<[1], [1], [0], [0], [0, 0, 1, 0], [], []>, transpose_lhs_hint = false} : vector<512x128xf32>, vector<2048x128xf32>, vector<512x2048xf32> -> vector<512x2048xf32>
    %mul3A = arith.constant 2048 : i32
    %mul3A_6 = arith.muli %arg0, %mul3A : i32
    %iota3A = tpu.iota {dimensions = array<i32: 1>} : vector<512x2048xi32>
    %add3A = vector.broadcast %mul3A_6 : i32 to vector<512x2048xi32>
    %add3A_7 = arith.addi %add3A, %iota3A : vector<512x2048xi32>
    %lt3A = arith.constant 100000 : i32
    %lt3A_8 = vector.broadcast %lt3A : i32 to vector<512x2048xi32>
    %lt3A_9 = arith.cmpi slt, %add3A_7, %lt3A_8 : vector<512x2048xi32>
    %jit3A = arith.constant -2.000000e+00 : f32
    %broadcast_in_dim3A = vector.broadcast %jit3A : f32 to vector<512x2048xf32>
    %select_n3A = arith.select %lt3A_9, %dot_general3A_5, %broadcast_in_dim3A : vector<512x2048xi1>, vector<512x2048xf32>
    %swap3A = arith.constant 0 : index
    %swap3A_10 = arith.constant 0 : index
    %swap3A_11 = vector.load %arg3[%swap3A, %swap3A_10] : memref<512x2048xf32, #tpu.memory_space<vmem>>, vector<512x2048xf32>
    tpu.vector_store %arg3[%swap3A, %swap3A_10], %select_n3A {strides = array<i32>} : memref<512x2048xf32, #tpu.memory_space<vmem>>, vector<512x2048xf32>,
    %reshape3A = vector.shape_cast %select_n3A : vector<512x2048xf32> to vector<512x16x128xf32>
    %reduce_max3A = arith.constant dense<0xFF800000> : vector<512x128xf32>
    %reduce_max3A_12 = vector.multi_reduction <maximumf>, %reshape3A, %reduce_max3A [1] : vector<512x16x128xf32> to vector<512x128xf32>
    %jit3A_13 = arith.constant 8 : i32
    %eq3A = arith.constant 0 : i32
    %eq3A_14 = arith.cmpi eq, %jit3A_13, %eq3A : i32
    %jit3A_15 = arith.constant 1 : i32
    %select_n3A_16 = arith.select %eq3A_14, %jit3A_15, %jit3A_13 : i32
    %rem3A = arith.remsi %arg0, %select_n3A_16 : i32
    %ne3A = arith.constant 0 : i32
    %ne3A_17 = arith.cmpi ne, %rem3A, %ne3A : i32
    %lt3A_18 = arith.constant 0 : i32
    %lt3A_19 = arith.cmpi slt, %rem3A, %lt3A_18 : i32
    %lt3A_20 = arith.constant 0 : i32
    %lt3A_21 = arith.cmpi slt, %select_n3A_16, %lt3A_20 : i32
    %ne3A_22 = arith.xori %lt3A_19, %lt3A_21 : i1
    %and3A = arith.andi %ne3A_22, %ne3A_17 : i1
    %add3A_23 = arith.addi %rem3A, %select_n3A_16 : i32
    %select_n3A_24 = arith.select %and3A, %add3A_23, %rem3A : i32
    %mul3A_25 = arith.constant 128 : i32
    %mul3A_26 = arith.muli %select_n3A_24, %mul3A_25 : i32
    %get3A_27 = arith.constant 0 : index
    %get3A_28 = arith.index_cast %mul3A_26 : i32 to index
    %get3A_29 = vector.load %arg4[%get3A_27, %get3A_28] : memref<512x1024xf32, #tpu.memory_space<vmem>>, vector<512x128xf32>
    %lt3A_30 = arith.constant 8 : i32
    %lt3A_31 = arith.cmpi slt, %arg0, %lt3A_30 : i32
    %max3A = arith.maximumf %get3A_29, %reduce_max3A_12 : vector<512x128xf32>
    %select_n3A_32 = arith.select %lt3A_31, %reduce_max3A_12, %max3A : vector<512x128xf32>
    %swap3A_33 = arith.constant 0 : index
    %swap3A_34 = arith.index_cast %mul3A_26 : i32 to index
    %swap3A_35 = vector.load %arg4[%swap3A_33, %swap3A_34] : memref<512x1024xf32, #tpu.memory_space<vmem>>, vector<512x128xf32>
    tpu.vector_store %arg4[%swap3A_33, %swap3A_34], %select_n3A_32 {strides = array<i32>} : memref<512x1024xf32, #tpu.memory_space<vmem>>, vector<512x128xf32>,
    return
  }
  func.func @transform_0(%arg0: i32) -> (i32, i32) {
    %c0_i32 = arith.constant 0 : i32
    %c0_i32_0 = arith.constant 0 : i32
    %c0_i32_1 = arith.constant 0 : i32
    return %c0_i32, %c0_i32_0 : i32, i32
  }
  func.func @transform_1(%arg0: i32) -> (i32, i32) {
    %c0_i32 = arith.constant 0 : i32
    %c0_i32_0 = arith.constant 0 : i32
    return %arg0, %c0_i32 : i32, i32
  }
  func.func @transform_2(%arg0: i32) -> (i32, i32) {
    %c0_i32 = arith.constant 0 : i32
    %c0_i32_0 = arith.constant 0 : i32
    return %c0_i32, %arg0 : i32, i32
  }
  func.func @transform_3(%arg0: i32) -> (i32, i32) {
    %c0_i32 = arith.constant 0 : i32
    %c0_i32_0 = arith.constant 0 : i32
    %c0_i32_1 = arith.constant 0 : i32
    return %c0_i32, %c0_i32_0 : i32, i32
  }
}

</mosaic_0001>

<sc_bundles>
// kernel: gather_offload_async_start
scs
__scs_entry_jumppad:
0x0: {  	(pc) =	sbr.rel $0x88, $3  }
0x1: {  	(tag) =	ssettag $0x0;
	lr =	simm.s32 $0x1  }
0x2: {  	[smem:$0x3F9E] =	sst lr;
	_ =	strace $0xD0000000  }
0x3: {  	_ = 	snop  }
0x4: {  	_ = 	snop  }
0x5: {  	_ = 	snop  }
0x6: {  	_ = 	snop  }
0x7: {  	_ = 	snop  }
__scs_overlays_trampoline_lowered:
0x8: {  	[smem:$0x3FAD] =	sst s0  }
0x9: {  	[smem:$0x3FAE] =	sst s1  }
0xa: {  	[smem:$0x3FAF] =	sst s2  }
0xb: {  	[smem:$0x3FB0] =	sst s3  }
0xc: {  	[smem:$0x3FB1] =	sst s4  }
0xd: {  	[smem:$0x3FB2] =	sst s5  }
0xe: {  	[smem:$0x3FB3] =	sst s6  }
0xf: {  	[smem:$0x3FB4] =	sst s7  }
0x10: {  	[smem:$0x3FB5] =	sst s8  }
0x11: {  	[smem:$0x3FB6] =	sst s9;
	s0 =	simm.s32 @!p0 $0x0  }
0x12: {  	s1 =	sld [smem:$0x3F9C];
	s0 =	simm.s32 @p0 $0x1  }
0x13: {  	[smem:$0x3FB7] =	sst s0;
	s0 =	simm.s32 @!p1 $0x0  }
0x14: {  	s2 =	sld [smem:$0x3F9B];
	s0 =	simm.s32 @p1 $0x1  }
0x15: {  	[smem:$0x3FB8] =	sst s0;
	s0 =	simm.s32 @!p2 $0x0  }
0x16: {  	s3 =	sld [smem:$0x3FDB];
	s0 =	simm.s32 @p2 $0x1  }
0x17: {  	s4 =	simm.s32 $0x1BF5;
	[smem:$0x3FBA] =	sst s0  }
0x18: {  	s0 =	sld [smem:$0x3F9D];
	_ =	swait.ge [sflag:s4], $0x0  }
0x19: {  	s7 =	sld [smem:$0x3F9E]  }
0x1a: {  	s8 =	sadd.s32 $0xFFFFE003, lr  }
0x1b: {  	s9 =	sadd.s32 $0xFFFFFEF7, lr;
	s5 =	simm.s32 $0xFFFFFFFF;
	p2 =	slt.u32 s8, $0xFFFFF086  }
0x1c: {  	p1 =	slt.u32 s9, $0xF7A;
	s5 =	simm.s32 @!p2 $0x0  }
0x1d: {  	s5 =	simm.s32 @p1 $0x1;
	p0 =	seq.s32 s7, s2  }
0x1e: {  	s7 =	smul.u32 @!p0 $0xF7A, s2;
	p2 =	seq.s32 @!p0 s5, $0x0  }
0x1f: {  	s9 =	smul.u32 $0xF7A, s1;
	s8 =	simm.s32 @!p0 $0x1BF5;
	p2 =	por !p2, p0  }
0x20: {  	[sflag:s8] =	ssyncset.s32 @!p0 $0xFFFFF086;
	s6 =	sadd.s32 @!p0 s3, s7;
	s7 =	simm.s32 @!p0 $0x108  }
0x21: {  	s3 =	sadd.s32 s3, s9;
	s6 =	sadd.s32 @!p0 $0x88, s6;
	s7 =	simm.s32 @p2 $0x1082  }
0x22: {  	[simem:s7], [sflag:s8] =	dma.local @!p0 [hbm:s6], $0xF7A  }
0x23: {  	s9 =	sor.u32 $0xD0000000, s2;
	s6 =	simm.s32 $0x108;
	_ =	swait.ge @!p0 [sflag:s8], $0x0  }
0x24: {  	s3 =	sadd.s32 $0x88, s3;
	s6 =	simm.s32 @!p1 $0x1082;
	[sflag:s4] =	ssyncset.s32 $0xFFFFF086  }
0x25: {  	[simem:s6], [sflag:s4] =	dma.local [hbm:s3], $0xF7A  }
0x26: {  	[smem:$0x3F9E] =	sst s1;
	(tag) =	ssettag s2;
	_ =	strace s9  }
0x27: {  	s1 =	sld [smem:$0x3FAE]  }
0x28: {  	s2 =	sld [smem:$0x3FAF]  }
0x29: {  	s4 =	sld [smem:$0x3FB1]  }
0x2a: {  	p0 =	seq.s32 s5, $0x0;
	s5 =	sld [smem:$0x3FB2]  }
0x2b: {  	s6 =	sld [smem:$0x3FB3]  }
0x2c: {  	s7 =	sld [smem:$0x3FB4]  }
0x2d: {  	s3 =	simm.s32 $0x108;
	s8 =	sld [smem:$0x3FB5]  }
0x2e: {  	s3 =	simm.s32 @!p0 $0x1082;
	s9 =	sld [smem:$0x3FB6]  }
0x2f: {  	lr =	sadd.s32 s0, s3;
	s0 =	sld [smem:$0x3FAD]  }
0x30: {  	s3 =	sld [smem:$0x3FB0]  }
0x31: {  	[smem:$0x3FB9] =	sst s10  }
0x32: {  	s10 =	sld [smem:$0x3FB7];
	_ =	sdelay $0x3  }
0x33: {  	p0 =	seq.s32 s10, $0x1;
	s10 =	sld [smem:$0x3FB9];
	_ =	sdelay $0x3  }
0x34: {  	[smem:$0x3FB9] =	sst s10  }
0x35: {  	s10 =	sld [smem:$0x3FB8];
	_ =	sdelay $0x3  }
0x36: {  	p1 =	seq.s32 s10, $0x1;
	s10 =	sld [smem:$0x3FB9];
	_ =	sdelay $0x3  }
0x37: {  	[smem:$0x3FB9] =	sst s10  }
0x38: {  	s10 =	sld [smem:$0x3FBA]  }
0x39: {  	_ = 	snop;
	(pc) =	sbr.ind lr, $3  }
0x3a: {  	_ = 	snop  }
0x3b: {  	_ = 	snop  }
0x3c: {  	p2 =	seq.s32 s10, $0x1;
	s10 =	sld [smem:$0x3FB9]  }
0x3d: {  	_ =	shalt  }
0x3e: {  	_ =	shalt  }
0x3f: {  	_ =	shalt  }
0x40: {  	_ =	shalt  }
0x41: {  	_ =	shalt  }
0x42: {  	_ =	shalt  }
0x43: {  	_ =	shalt  }
0x44: {  	_ =	shalt  }
0x45: {  	_ =	shalt  }
0x46: {  	_ =	shalt  }
0x47: {  	_ =	shalt  }
0x48: {  	_ =	shalt  }
0x49: {  	_ =	shalt  }
0x4a: {  	_ =	shalt  }
0x4b: {  	_ =	shalt  }
0x4c: {  	_ =	shalt  }
0x4d: {  	_ =	shalt  }
0x4e: {  	_ =	shalt  }
0x4f: {  	_ =	shalt  }
0x50: {  	_ =	shalt  }
0x51: {  	_ =	shalt  }
0x52: {  	_ =	shalt  }
0x53: {  	_ =	shalt  }
0x54: {  	_ =	shalt  }
0x55: {  	_ =	shalt  }
0x56: {  	_ =	shalt  }
0x57: {  	_ =	shalt  }
0x58: {  	_ =	shalt  }
0x59: {  	_ =	shalt  }
0x5a: {  	_ =	shalt  }
0x5b: {  	_ =	shalt  }
0x5c: {  	_ =	shalt  }
0x5d: {  	_ =	shalt  }
0x5e: {  	_ =	shalt  }
0x5f: {  	_ =	shalt  }
0x60: {  	_ =	shalt  }
0x61: {  	_ =	shalt  }
0x62: {  	_ =	shalt  }
0x63: {  	_ =	shalt  }
0x64: {  	_ =	shalt  }
0x65: {  	_ =	shalt  }
0x66: {  	_ =	shalt  }
0x67: {  	_ =	shalt  }
0x68: {  	_ =	shalt  }
0x69: {  	_ =	shalt  }
0x6a: {  	_ =	shalt  }
0x6b: {  	_ =	shalt  }
0x6c: {  	_ =	shalt  }
0x6d: {  	_ =	shalt  }
0x6e: {  	_ =	shalt  }
0x6f: {  	_ =	shalt  }
0x70: {  	_ =	shalt  }
0x71: {  	_ =	shalt  }
0x72: {  	_ =	shalt  }
0x73: {  	_ =	shalt  }
0x74: {  	_ =	shalt  }
0x75: {  	_ =	shalt  }
0x76: {  	_ =	shalt  }
0x77: {  	_ =	shalt  }
0x78: {  	_ =	shalt  }
0x79: {  	_ =	shalt  }
0x7a: {  	_ =	shalt  }
0x7b: {  	_ =	shalt  }
0x7c: {  	_ =	shalt  }
0x7d: {  	_ =	shalt  }
0x7e: {  	_ =	shalt  }
0x7f: {  	_ =	shalt  }
0x80: {  	_ =	shalt  }
0x81: {  	_ =	shalt  }
0x82: {  	_ =	shalt  }
0x83: {  	_ =	shalt  }
0x84: {  	_ =	shalt  }
0x85: {  	_ =	shalt  }
0x86: {  	_ =	shalt  }
0x87: {  	_ =	shalt  }
.Lfunc_end0:
.L_simem_size_0:
called_computation.1_lowered:
.L_overlay_start_0:
0x88: {  	s2 =	sld [smem:$0x3FD9]  }
0x89: {  	s3 =	sld [smem:$0x3FFE];
	_ =	sdelay $0x1  }
0x8a: {  	s1 =	srdreg.scid  }
0x8b: {  	s0 =	sand.u32 $0x1, s1  }
0x8c: {  	s14 =	sshll.u32 s0, $0xA;
	s2 =	sadd.s32 s3, s2  }
0x8d: {  	s2 =	sadd.s32 s2, s14  }
0x8e: {  	[smem:$0x3FC5] =	sst s2  }
0x8f: {  	_ = 	snop  }
0x90: {  	s2 =	sld [smem:$0x3FD0];
	_ =	sdelay $0x2  }
0x91: {  	s4 =	simm.s32 $0xA;
	s5 =	simm.s32 $0x10;
	s15 =	sld [smem:$0x3FC7]  }
0x92: {  	[smem:s5], [sflag:s4] =	dma.local [hbm:s2], $0x1  }
0x93: {  	_ =	swait.eq [sflag:s4], $0x1  }
0x94: {  	[sflag:s4] =	ssyncset.done $0x0  }
0x95: {  	[sflag:s4] =	ssyncadd.s32 $0xFFFFFFFF  }
0x96: {  	s16 =	sld [smem:$0x10];
	(tm) =	ssettm $0x1  }
0x97: {  	s17 =	sld [smem:$0x3FFB];
	_ =	sdelay $0x3  }
0x98: {  	_ =	strace s17  }
0x99: {  	s4 =	sld [smem:$0x3FFC];
	_ =	sdelay $0x3  }
0x9a: {  	_ =	strace s4  }
0x9b: {  	s4 =	sld [smem:$0x3FFD];
	_ =	sdelay $0x3  }
0x9c: {  	_ =	strace s4  }
0x9d: {  	_ =	strace $0x8FFFFFFF  }
0x9e: {  	s18 =	sld [smem:$0x3FDB];
	_ =	sdelay $0x1  }
0x9f: {  	s19 =	simm.s32 $_scs_section_size  }
0xa0: {  	s6 =	simm.s32 $_size__tile_overlayer_lowered;
	s7 =	simm.s32 $_tile_overlayer_lowered  }
0xa1: {  	s22 =	simm.s32 $0x1BFF;
	s21 =	sshll.u32 s7, $0x1;
	s4 =	sadd.s32 s19, s18  }
0xa2: {  	s8 =	simm.s32 $0x0;
	s20 =	sshll.u32 s6, $0x1;
	s6 =	sadd.s32 s21, s4  }
0xa3: {  	[timem:s8], [sflag:s22] =	dma.local [hbm:s6], s20  }
0xa4: {  	_ =	swait.ge [sflag:s22], s20  }
0xa5: {  	s5 =	ssub.s32 $0x0, s20;
	[sflag:s22] =	ssyncset.done $0x0  }
0xa6: {  	[sflag:s22] =	ssyncadd.s32 s5;
	_ =	sdelay $0x1  }
0xa7: {  	s23 =	simm.s32 $0x1B8B  }
0xa8: {  	_ =	swait.ge [sflag:s23], $0x1  }
0xa9: {  	[sflag:s23] =	ssyncset.done $0x0  }
0xaa: {  	s25 =	simm.s32 $0x1B8E;
	s24 =	sld [smem:$0x3FFE];
	[sflag:s23] =	ssyncadd.s32 $0xFFFFFFFF  }
0xab: {  	s26 =	simm.s32 $execute0_lowered;
	[smem:$0x3FD2] =	sst s25  }
0xac: {  	s6 =	sshll.u32 s26, $0x1;
	_ =	strace $0x8000004C;
	[dreg:$0x1] =	wrdreg $0xFFFFFFFF  }
0xad: {  	s28 =	simm.s32 $_size_execute0_lowered;
	s4 =	sadd.s32 s4, s6;
	[dreg:$0x0] =	wrdreg $0x0  }
0xae: {  	s6 =	sshll.u32 s28, $0x1;
	[dreg:$0x2] =	wrdreg s4  }
0xaf: {  	[dreg:$0x3] =	wrdreg s6  }
0xb0: {  	[dreg:$0x4] =	wrdreg $0xC0  }
0xb1: {  	_ =	task [dreg:s8], $0x5FFFF  }
0xb2: {  	[dreg:$0x1] =	wrdreg $0xFFFFFFFF  }
0xb3: {  	[dreg:$0x0] =	wrdreg $0x60  }
0xb4: {  	[dreg:$0x2] =	wrdreg s15  }
0xb5: {  	[dreg:$0x3] =	wrdreg s16  }
0xb6: {  	[dreg:$0x4] =	wrdreg s24  }
0xb7: {  	[dreg:$0x5] =	wrdreg $0x9  }
0xb8: {  	_ =	task.clear_ibuf [dreg:s8], $0x6FFFF;
	_ =	strace $0x9000004C  }
0xb9: {  	s29 =	simm.s32 $0x9;
	_ =	strace $0x8000004E  }
0xba: {  	_ =	swait.ge [sflag:s29], $0x1  }
0xbb: {  	[sflag:s29] =	ssyncadd.s32 $0xFFFFFFFF  }
0xbc: {  	_ =	strace $0x9000004E  }
0xbd: {  	_ =	sfence  }
0xbe: {  	s30 =	sld [smem:$0x0];
	_ =	sdelay $0x2  }
0xbf: {  	s31 =	sshll.u32 s1, $0xD;
	s1 =	sshrl.u32 s1, $0x2  }
0xc0: {  	s3 =	sand.u32 $0x4000, s31;
	s1 =	sadd.s32 s1, s30  }
0xc1: {  	s0 =	sor.u32 s3, s0;
	s1 =	sshll.u32 s1, $0x11  }
0xc2: {  	s0 =	sor.u32 s1, s0  }
0xc3: {  	s0 =	sadd.s32 $0x8F2B, s0  }
0xc4: {  	[sflag:s0] =	ssyncadd.remote.s32 $0x1  }
0xc5: {  	_ =	sfence.sel $0xFFFF  }
0xc6: {  	[dreg:$0x0] =	wrdreg $0xFFFFFFFF;
	(pc) =	sbr.abs _section_cstart, $3  }
0xc7: {  	[dreg:$0x1] =	wrdreg $0xFFFFFFFF  }
0xc8: {  	_ =	task.clear_ibuf [dreg:s8], $0x2FFFF;
	_ =	strace $0x9FFFFFFF  }
0xc9: {  	(tm) =	ssettm $0x7FFFFFFF  }
tec
execute0_lowered:
.L_overlay_start_1:
0x0: {  	(tag) =	ssettag $0x1  }
0x1: {  	s2 =	rddreg [dreg:$0x0]  }
0x2: {  	s3 =	rddreg [dreg:$0x1]  }
0x3: {  	s4 =	rddreg [dreg:$0x2]  }
0x4: {  	s0 =	rddreg [dreg:$0x3];
	s1 =	srdreg.scid  }
0x5: {  	_ =	strace $0x8000004D;
	s5 =	simm.s32 $0x1;
	s6 =	sshll.u32 s1, $0x4  }
.Ltmp0:
0x6: {  	s1 =	stileid.u32;
	s6 =	sand.u32 $0x10, s6;
	(pc) =	sbr.rel .LBB2_1-.Ltmp0, $4  }
0x7: {  	s9 =	simm.s32 $0x3;
	s11 =	simm.s32 $0x0;
	s7 =	sor.u32 s1, s6  }
0x8: {  	[sflag:s5] =	ssyncpa.u1 $0x0;
	s6 =	simm.s32 $0x2;
	s7 =	sshll.u32 s7, $0x9  }
0x9: {  	p0 =	por $0x0, $0x0;
	[sflag:s6] =	ssyncpa.u1 $0x0;
	s8 =	sadd.s32 $0x200, s7  }
0xa: {  	vm0 =	vmmov $0xff;
	vm1 =	vcmask $0x3F20;
	[sflag:s9] =	ssyncpa.u1 $0x0;
	s10 =	smov.u32 s7;
	s9 =	simm.s32 $0x0  }
.LBB2_7:
0xb: {  	p1 =	slt.u32 s9, $0x2;
	s11 =	sadd.s32 $0x100, s10  }
0xc: {  	s13 =	smov.u32 s7;
	s9 =	sadd.s32 $0x1, s9;
	p2 =	slt.s32 s11, s8  }
0xd: {  	s13 =	smov.u32 @p2 s11;
	p2 =	sne.s32 s9, $0x4  }
.Ltmp1:
0xe: {  	_ = 	snop;
	(pc) =	sbr.rel @!p2 .LBB2_8-.Ltmp1, $4  }
0xf: {  	s12 =	simm.s32 @!p1 $0x3  }
0x10: {  	_ =	swait.ge @!p1 [sflag:s12], $0x8000  }
0x11: {  	p0 =	por !p0, !p0;
	[sflag:s12] =	ssyncset.done @!p1 $0x0  }
0x12: {  	s11 =	smov.u32 s10;
	s10 =	smov.u32 s13;
	[sflag:s12] =	ssyncadd.s32 @!p1 $0xFFFF8000  }
.LBB2_1:
0x13: {  	p1 =	sgt.u32 s9, $0x1  }
0x14: {  	s12 =	sshll.u32 @!p1 s9, $0x8;
	s13 =	sshrl.u32 @!p1 s10, $0x3  }
0x15: {  	s14 =	sand.u32 @!p1 $0x7, s10;
	s12 =	sxor.u32 @!p1 $0x100, s12;
	s13 =	sadd.s32 @!p1 s3, s13  }
0x16: {  	[tilespmem:s12], [sflag:$0x2] =	stream.linear.gather @!p1 [hbm4b:s13+s14], $0x100, $0x38;
	[tilespmem:$0x10200] =	vst v63  }
0x17: {  	p1 =	seq.s32 s9, $0x0  }
0x18: {  	p2 =	seq.s32 @!p1 s9, $0x3  }
0x19: {  	p1 =	por p1, p2  }
.Ltmp2:
0x1a: {  	_ = 	snop;
	(pc) =	sbr.rel @p1 .LBB2_7-.Ltmp2, $1  }
0x1b: {  	_ =	sdelay $0x3  }
0x1c: {  	s12 =	simm.s32 $0x1  }
0x1d: {  	_ =	swait.ge [sflag:s6], $0x100;
	s12 =	simm.s32 @!p0 $0x0  }
0x1e: {  	[sflag:s6] =	ssyncset.done $0x0;
	s14 =	sshll.u32 s12, $0x8  }
0x1f: {  	[sflag:s6] =	ssyncadd.s32 $0xFFFFFF00;
	s13 =	sadd.s32 $0x0, s14  }
0x20: {  	v0 =	vld.msk [tilespmem:s13+$0x0 ss:$0x1], $0xffff;
	_ =	sdelay $0x4  }
0x21: {  	vm2 =	vgt.s32 v0, $0x0  }
0x22: {  	v0 =	vnsel vm2, $0x0, v0  }
0x23: {  	v0 =	vmin.u32 v0, $0x1869F  }
0x24: {  	v0 =	vshll.u32 v0, $0x4;
	_ =	sdelay $0x2  }
0x25: {  	s12 =	sshll.u32 s12, $0xF  }
0x26: {  	s12 =	sor.u32 $0x200, s12  }
0x27: {  	[tilespmem:s12], [sflag:$0x1] =	stream.indirect_vreg.gather [hbm:s2], $0x80, v0, vm0, $0x38;
	[tilespmem:$0x10200] =	vst v63  }
0x28: {  	s15 =	sadd.s32 $0x10, s14;
	s13 =	sadd.s32 $0x400, s12  }
0x29: {  	[tilespmem:s13], [sflag:$0x1] =	stream.indirect_vreg.gather [hbm:s2], $0x80, v0, vm1, $0x38;
	[tilespmem:$0x10200] =	vst v63  }
0x2a: {  	s16 =	simm.s32 $0x80;
	v0 =	vld.msk [tilespmem:s15+$0x0 ss:$0x1], $0xffff;
	s15 =	smov.u32 s12  }
.LBB2_3:
0x2b: {  	p1 =	sne.s32 s16, $0x3C0;
	_ =	sdelay $0x4  }
0x2c: {  	vm2 =	vgt.s32 v0, $0x0  }
0x2d: {  	v0 =	vnsel vm2, $0x0, v0  }
0x2e: {  	v0 =	vmin.u32 v0, $0x1869F  }
0x2f: {  	v0 =	vshll.u32 v0, $0x4;
	_ =	sdelay $0x3  }
.Ltmp3:
0x30: {  	s17 =	sshra.s32 s16, $0x2;
	s15 =	sadd.s32 $0x800, s15;
	(pc) =	sbr.rel @p1 .LBB2_3-.Ltmp3, $4  }
0x31: {  	[tilespmem:s15], [sflag:$0x1] =	stream.indirect_vreg.gather [hbm:s2], $0x80, v0, vm0, $0x38;
	[tilespmem:$0x10200] =	vst v63  }
0x32: {  	s17 =	sadd.s32 s17, s14;
	s18 =	sadd.s32 $0x400, s15  }
0x33: {  	[tilespmem:s18], [sflag:$0x1] =	stream.indirect_vreg.gather [hbm:s2], $0x80, v0, vm1, $0x38;
	[tilespmem:$0x10200] =	vst v63  }
0x34: {  	s16 =	sadd.s32 $0x40, s16;
	v0 =	vld.msk [tilespmem:s17+$0x0 ss:$0x1], $0xffff  }
0x35: {  	_ =	sdelay $0x3  }
0x36: {  	vm2 =	vgt.s32 v0, $0x0  }
0x37: {  	v0 =	vnsel vm2, $0x0, v0  }
0x38: {  	v0 =	vmin.u32 v0, $0x1869F  }
0x39: {  	v0 =	vshll.u32 v0, $0x4;
	_ =	sdelay $0x3  }
0x3a: {  	s14 =	sadd.s32 $0x800, s15  }
0x3b: {  	[tilespmem:s14], [sflag:$0x1] =	stream.indirect_vreg.gather [hbm:s2], $0x80, v0, vm0, $0x38;
	[tilespmem:$0x10200] =	vst v63  }
0x3c: {  	s14 =	sadd.s32 $0x400, s14  }
0x3d: {  	[tilespmem:s14], [sflag:$0x1] =	stream.indirect_vreg.gather [hbm:s2], $0x80, v0, vm1, $0x38;
	[tilespmem:$0x10200] =	vst v63  }
0x3e: {  	s11 =	sshll.u32 s11, $0x4;
	_ =	swait.ge [sflag:s5], $0x8000  }
0x3f: {  	s11 =	sadd.s32 s11, s4;
	[sflag:s5] =	ssyncset.done $0x0  }
0x40: {  	s15 =	sadd.s32 $0x0, s11;
	s14 =	simm.s32 $0x80;
	[sflag:s5] =	ssyncadd.s32 $0xFFFF8000  }
.LBB2_5:
0x41: {  	[hbm:s15] =	stream.linear.scatter [tilespmem:s12], [sflag:$0x3], $0x400, $0x38;
	[tilespmem:$0x10200] =	vst v63  }
0x42: {  	s15 =	smov.u32 s14;
	s12 =	smov.u32 s13;
	p1 =	sne.s32 s14, $0xF80  }
.Ltmp4:
0x43: {  	s14 =	sadd.s32 $0x80, s14;
	(pc) =	sbr.rel @p1 .LBB2_5-.Ltmp4, $2  }
0x44: {  	_ =	sdelay $0x2  }
0x45: {  	s13 =	sadd.s32 $0x400, s13;
	s15 =	sadd.s32 s15, s11  }
.Ltmp5:
0x46: {  	(pc) =	sbr.rel .LBB2_7-.Ltmp5, $2  }
0x47: {  	_ =	sdelay $0x2  }
0x48: {  	[hbm:s15] =	stream.linear.scatter [tilespmem:s12], [sflag:$0x3], $0x400, $0x38;
	[tilespmem:$0x10200] =	vst v63  }
.LBB2_8:
0x49: {  	_ =	sfence.sel $0x180000  }
0x4a: {  	s2 =	simm.s32 $0x2;
	[bflag:$0x0] =	sbarrier.arrive $0xFFFF  }
0x4b: {  	s30 =	simm.s32 $0x3;
	[sflag:s2] =	ssyncpa.u1 $0x1  }
0x4c: {  	s31 =	simm.s32 $0x1;
	[sflag:s30] =	ssyncpa.u1 $0x1  }
0x4d: {  	[sflag:s31] =	ssyncpa.u1 $0x1  }
0x4e: {  	p0 =	sne.s32 s1, $0x0;
	_ =	strace $0x9000004D  }
0x4f: {  	s0 =	sadd.s32 @!p0 $0x100000, s0;
	[bflag:$0x2] =	sbarrier.arrive $0xFFFF  }
0x50: {  	[sflag:s0] =	ssyncadd.tile.s32 @!p0 $0x1;
	_ =	shalt  }
.Lfunc_end2:
_tile_overlayer_lowered:
.L_overlay_start_2:
0x51: {  	(tag) =	ssettag $0x2  }
0x52: {  	s0 =	rddreg [dreg:$0x0];
	s2 =	stileid.u32  }
0x53: {  	s1 =	rddreg [dreg:$0x1];
	p0 =	sne.s32 s2, $0x0  }
0x54: {  	s3 =	rddreg [dreg:$0x2];
	[bflag:$0x3] =	sbarrier.arrive $0xFFFF;
	s2 =	simm.s32 @!p0 $0x1C01  }
0x55: {  	[timem:s3], [sflag:s2] =	dma.local @!p0 [hbm:s0], s1  }
0x56: {  	s0 =	simm.s32 @!p0 $0x1  }
0x57: {  	_ =	swait.ge @!p0 [sflag:s0], s1  }
0x58: {  	s1 =	ssub.s32 @!p0 $0x0, s1;
	[sflag:s0] =	ssyncset.done @!p0 $0x0  }
0x59: {  	[sflag:s0] =	ssyncadd.s32 @!p0 s1  }
0x5a: {  	[bflag:$0x3] =	sbarrier.arrive $0xFFFF  }
0x5b: {  	_ =	shalt  }

// kernel: kernel.4.cloned.1.call-start
scs
__scs_entry_jumppad:
0x0: {  	(pc) =	sbr.rel $0x88, $3  }
0x1: {  	(tag) =	ssettag $0x0;
	lr =	simm.s32 $0x1  }
0x2: {  	[smem:$0x3F9E] =	sst lr;
	_ =	strace $0xD0000000  }
0x3: {  	_ = 	snop  }
0x4: {  	_ = 	snop  }
0x5: {  	_ = 	snop  }
0x6: {  	_ = 	snop  }
0x7: {  	_ = 	snop  }
__scs_overlays_trampoline_lowered:
0x8: {  	[smem:$0x3FAD] =	sst s0  }
0x9: {  	[smem:$0x3FAE] =	sst s1  }
0xa: {  	[smem:$0x3FAF] =	sst s2  }
0xb: {  	[smem:$0x3FB0] =	sst s3  }
0xc: {  	[smem:$0x3FB1] =	sst s4  }
0xd: {  	[smem:$0x3FB2] =	sst s5  }
0xe: {  	[smem:$0x3FB3] =	sst s6  }
0xf: {  	[smem:$0x3FB4] =	sst s7  }
0x10: {  	[smem:$0x3FB5] =	sst s8  }
0x11: {  	[smem:$0x3FB6] =	sst s9;
	s0 =	simm.s32 @!p0 $0x0  }
0x12: {  	s1 =	sld [smem:$0x3F9C];
	s0 =	simm.s32 @p0 $0x1  }
0x13: {  	[smem:$0x3FB7] =	sst s0;
	s0 =	simm.s32 @!p1 $0x0  }
0x14: {  	s2 =	sld [smem:$0x3F9B];
	s0 =	simm.s32 @p1 $0x1  }
0x15: {  	[smem:$0x3FB8] =	sst s0;
	s0 =	simm.s32 @!p2 $0x0  }
0x16: {  	s3 =	sld [smem:$0x3FDB];
	s0 =	simm.s32 @p2 $0x1  }
0x17: {  	s4 =	simm.s32 $0x1BF5;
	[smem:$0x3FBA] =	sst s0  }
0x18: {  	s0 =	sld [smem:$0x3F9D];
	_ =	swait.ge [sflag:s4], $0x0  }
0x19: {  	s7 =	sld [smem:$0x3F9E]  }
0x1a: {  	s8 =	sadd.s32 $0xFFFFE003, lr  }
0x1b: {  	s9 =	sadd.s32 $0xFFFFFEF7, lr;
	s5 =	simm.s32 $0xFFFFFFFF;
	p2 =	slt.u32 s8, $0xFFFFF086  }
0x1c: {  	p1 =	slt.u32 s9, $0xF7A;
	s5 =	simm.s32 @!p2 $0x0  }
0x1d: {  	s5 =	simm.s32 @p1 $0x1;
	p0 =	seq.s32 s7, s2  }
0x1e: {  	s7 =	smul.u32 @!p0 $0xF7A, s2;
	p2 =	seq.s32 @!p0 s5, $0x0  }
0x1f: {  	s9 =	smul.u32 $0xF7A, s1;
	s8 =	simm.s32 @!p0 $0x1BF5;
	p2 =	por !p2, p0  }
0x20: {  	[sflag:s8] =	ssyncset.s32 @!p0 $0xFFFFF086;
	s6 =	sadd.s32 @!p0 s3, s7;
	s7 =	simm.s32 @!p0 $0x108  }
0x21: {  	s3 =	sadd.s32 s3, s9;
	s6 =	sadd.s32 @!p0 $0x88, s6;
	s7 =	simm.s32 @p2 $0x1082  }
0x22: {  	[simem:s7], [sflag:s8] =	dma.local @!p0 [hbm:s6], $0xF7A  }
0x23: {  	s9 =	sor.u32 $0xD0000000, s2;
	s6 =	simm.s32 $0x108;
	_ =	swait.ge @!p0 [sflag:s8], $0x0  }
0x24: {  	s3 =	sadd.s32 $0x88, s3;
	s6 =	simm.s32 @!p1 $0x1082;
	[sflag:s4] =	ssyncset.s32 $0xFFFFF086  }
0x25: {  	[simem:s6], [sflag:s4] =	dma.local [hbm:s3], $0xF7A  }
0x26: {  	[smem:$0x3F9E] =	sst s1;
	(tag) =	ssettag s2;
	_ =	strace s9  }
0x27: {  	s1 =	sld [smem:$0x3FAE]  }
0x28: {  	s2 =	sld [smem:$0x3FAF]  }
0x29: {  	s4 =	sld [smem:$0x3FB1]  }
0x2a: {  	p0 =	seq.s32 s5, $0x0;
	s5 =	sld [smem:$0x3FB2]  }
0x2b: {  	s6 =	sld [smem:$0x3FB3]  }
0x2c: {  	s7 =	sld [smem:$0x3FB4]  }
0x2d: {  	s3 =	simm.s32 $0x108;
	s8 =	sld [smem:$0x3FB5]  }
0x2e: {  	s3 =	simm.s32 @!p0 $0x1082;
	s9 =	sld [smem:$0x3FB6]  }
0x2f: {  	lr =	sadd.s32 s0, s3;
	s0 =	sld [smem:$0x3FAD]  }
0x30: {  	s3 =	sld [smem:$0x3FB0]  }
0x31: {  	[smem:$0x3FB9] =	sst s10  }
0x32: {  	s10 =	sld [smem:$0x3FB7];
	_ =	sdelay $0x3  }
0x33: {  	p0 =	seq.s32 s10, $0x1;
	s10 =	sld [smem:$0x3FB9];
	_ =	sdelay $0x3  }
0x34: {  	[smem:$0x3FB9] =	sst s10  }
0x35: {  	s10 =	sld [smem:$0x3FB8];
	_ =	sdelay $0x3  }
0x36: {  	p1 =	seq.s32 s10, $0x1;
	s10 =	sld [smem:$0x3FB9];
	_ =	sdelay $0x3  }
0x37: {  	[smem:$0x3FB9] =	sst s10  }
0x38: {  	s10 =	sld [smem:$0x3FBA]  }
0x39: {  	_ = 	snop;
	(pc) =	sbr.ind lr, $3  }
0x3a: {  	_ = 	snop  }
0x3b: {  	_ = 	snop  }
0x3c: {  	p2 =	seq.s32 s10, $0x1;
	s10 =	sld [smem:$0x3FB9]  }
0x3d: {  	_ =	shalt  }
0x3e: {  	_ =	shalt  }
0x3f: {  	_ =	shalt  }
0x40: {  	_ =	shalt  }
0x41: {  	_ =	shalt  }
0x42: {  	_ =	shalt  }
0x43: {  	_ =	shalt  }
0x44: {  	_ =	shalt  }
0x45: {  	_ =	shalt  }
0x46: {  	_ =	shalt  }
0x47: {  	_ =	shalt  }
0x48: {  	_ =	shalt  }
0x49: {  	_ =	shalt  }
0x4a: {  	_ =	shalt  }
0x4b: {  	_ =	shalt  }
0x4c: {  	_ =	shalt  }
0x4d: {  	_ =	shalt  }
0x4e: {  	_ =	shalt  }
0x4f: {  	_ =	shalt  }
0x50: {  	_ =	shalt  }
0x51: {  	_ =	shalt  }
0x52: {  	_ =	shalt  }
0x53: {  	_ =	shalt  }
0x54: {  	_ =	shalt  }
0x55: {  	_ =	shalt  }
0x56: {  	_ =	shalt  }
0x57: {  	_ =	shalt  }
0x58: {  	_ =	shalt  }
0x59: {  	_ =	shalt  }
0x5a: {  	_ =	shalt  }
0x5b: {  	_ =	shalt  }
0x5c: {  	_ =	shalt  }
0x5d: {  	_ =	shalt  }
0x5e: {  	_ =	shalt  }
0x5f: {  	_ =	shalt  }
0x60: {  	_ =	shalt  }
0x61: {  	_ =	shalt  }
0x62: {  	_ =	shalt  }
0x63: {  	_ =	shalt  }
0x64: {  	_ =	shalt  }
0x65: {  	_ =	shalt  }
0x66: {  	_ =	shalt  }
0x67: {  	_ =	shalt  }
0x68: {  	_ =	shalt  }
0x69: {  	_ =	shalt  }
0x6a: {  	_ =	shalt  }
0x6b: {  	_ =	shalt  }
0x6c: {  	_ =	shalt  }
0x6d: {  	_ =	shalt  }
0x6e: {  	_ =	shalt  }
0x6f: {  	_ =	shalt  }
0x70: {  	_ =	shalt  }
0x71: {  	_ =	shalt  }
0x72: {  	_ =	shalt  }
0x73: {  	_ =	shalt  }
0x74: {  	_ =	shalt  }
0x75: {  	_ =	shalt  }
0x76: {  	_ =	shalt  }
0x77: {  	_ =	shalt  }
0x78: {  	_ =	shalt  }
0x79: {  	_ =	shalt  }
0x7a: {  	_ =	shalt  }
0x7b: {  	_ =	shalt  }
0x7c: {  	_ =	shalt  }
0x7d: {  	_ =	shalt  }
0x7e: {  	_ =	shalt  }
0x7f: {  	_ =	shalt  }
0x80: {  	_ =	shalt  }
0x81: {  	_ =	shalt  }
0x82: {  	_ =	shalt  }
0x83: {  	_ =	shalt  }
0x84: {  	_ =	shalt  }
0x85: {  	_ =	shalt  }
0x86: {  	_ =	shalt  }
0x87: {  	_ =	shalt  }
.Lfunc_end0:
.L_simem_size_0:
called_computation.2_lowered:
.L_overlay_start_0:
0x88: {  	s2 =	sld [smem:$0x3FD9]  }
0x89: {  	s3 =	sld [smem:$0x3FFE];
	_ =	sdelay $0x1  }
0x8a: {  	s1 =	srdreg.scid  }
0x8b: {  	s0 =	sand.u32 $0x1, s1  }
0x8c: {  	s16 =	sshll.u32 s0, $0xA;
	s2 =	sadd.s32 s3, s2  }
0x8d: {  	s2 =	sadd.s32 s2, s16  }
0x8e: {  	[smem:$0x3FC5] =	sst s2  }
0x8f: {  	_ = 	snop  }
0x90: {  	(tm) =	ssettm $0x1  }
0x91: {  	s17 =	sld [smem:$0x3FFB];
	_ =	sdelay $0x3  }
0x92: {  	_ =	strace s17  }
0x93: {  	s2 =	sld [smem:$0x3FFC];
	_ =	sdelay $0x3  }
0x94: {  	_ =	strace s2  }
0x95: {  	s2 =	sld [smem:$0x3FFD];
	_ =	sdelay $0x3  }
0x96: {  	_ =	strace s2  }
0x97: {  	_ =	strace $0x8FFFFFFF  }
0x98: {  	s18 =	sld [smem:$0x3FDB];
	_ =	sdelay $0x1  }
0x99: {  	s19 =	simm.s32 $_scs_section_size  }
0x9a: {  	s4 =	simm.s32 $_size__tile_overlayer_lowered;
	s5 =	simm.s32 $_tile_overlayer_lowered  }
0x9b: {  	s22 =	simm.s32 $0x1BFF;
	s21 =	sshll.u32 s5, $0x1;
	s2 =	sadd.s32 s19, s18  }
0x9c: {  	s6 =	simm.s32 $0x0;
	s20 =	sshll.u32 s4, $0x1;
	s4 =	sadd.s32 s21, s2  }
0x9d: {  	[timem:s6], [sflag:s22] =	dma.local [hbm:s4], s20  }
0x9e: {  	_ =	swait.ge [sflag:s22], s20  }
0x9f: {  	s3 =	ssub.s32 $0x0, s20;
	[sflag:s22] =	ssyncset.done $0x0  }
0xa0: {  	[sflag:s22] =	ssyncadd.s32 s3;
	_ =	sdelay $0x1  }
0xa1: {  	s23 =	simm.s32 $0x1B8B  }
0xa2: {  	_ =	swait.ge [sflag:s23], $0x1  }
0xa3: {  	[sflag:s23] =	ssyncset.done $0x0  }
0xa4: {  	s25 =	simm.s32 $0x1B8E;
	s24 =	sld [smem:$0x3FFE];
	[sflag:s23] =	ssyncadd.s32 $0xFFFFFFFF  }
0xa5: {  	s26 =	simm.s32 $execute0_lowered;
	[smem:$0x3FD2] =	sst s25  }
0xa6: {  	s4 =	sshll.u32 s26, $0x1;
	_ =	strace $0x80000049;
	[dreg:$0x1] =	wrdreg $0xFFFFFFFF  }
0xa7: {  	s28 =	simm.s32 $_size_execute0_lowered;
	s2 =	sadd.s32 s2, s4;
	[dreg:$0x0] =	wrdreg $0x0  }
0xa8: {  	s4 =	sshll.u32 s28, $0x1;
	[dreg:$0x2] =	wrdreg s2  }
0xa9: {  	[dreg:$0x3] =	wrdreg s4  }
0xaa: {  	[dreg:$0x4] =	wrdreg $0xC0  }
0xab: {  	_ =	task [dreg:s6], $0x5FFFF  }
0xac: {  	[dreg:$0x1] =	wrdreg $0xFFFFFFFF  }
0xad: {  	[dreg:$0x0] =	wrdreg $0x60  }
0xae: {  	[dreg:$0x2] =	wrdreg s24  }
0xaf: {  	[dreg:$0x3] =	wrdreg $0x9  }
0xb0: {  	_ =	task.clear_ibuf [dreg:s6], $0x4FFFF;
	_ =	strace $0x90000049  }
0xb1: {  	s29 =	simm.s32 $0x9;
	_ =	strace $0x8000004B  }
0xb2: {  	_ =	swait.ge [sflag:s29], $0x1  }
0xb3: {  	[sflag:s29] =	ssyncadd.s32 $0xFFFFFFFF  }
0xb4: {  	_ =	strace $0x9000004B  }
0xb5: {  	_ =	sfence  }
0xb6: {  	s30 =	sld [smem:$0x0];
	_ =	sdelay $0x2  }
0xb7: {  	s31 =	sshll.u32 s1, $0xD;
	s1 =	sshrl.u32 s1, $0x2  }
0xb8: {  	s3 =	sand.u32 $0x4000, s31;
	s1 =	sadd.s32 s1, s30  }
0xb9: {  	s0 =	sor.u32 s3, s0;
	s1 =	sshll.u32 s1, $0x11  }
0xba: {  	s0 =	sor.u32 s1, s0  }
0xbb: {  	s0 =	sadd.s32 $0x8F2B, s0  }
0xbc: {  	[sflag:s0] =	ssyncadd.remote.s32 $0x1  }
0xbd: {  	_ =	sfence.sel $0xFFFF  }
0xbe: {  	[dreg:$0x0] =	wrdreg $0xFFFFFFFF;
	(pc) =	sbr.abs _section_cstart, $3  }
0xbf: {  	[dreg:$0x1] =	wrdreg $0xFFFFFFFF  }
0xc0: {  	_ =	task.clear_ibuf [dreg:s6], $0x2FFFF;
	_ =	strace $0x9FFFFFFF  }
0xc1: {  	(tm) =	ssettm $0x7FFFFFFF  }
tec
execute0_lowered:
.L_overlay_start_1:
0x0: {  	(tag) =	ssettag $0x1  }
0x1: {  	s1 =	rddreg [dreg:$0x0];
	s2 =	simm.s32 $0x0  }
0x2: {  	[smem:$0x7FF] =	sst s2;
	s3 =	sadd.s32 $0x54000, s1  }
0x3: {  	s22 =	simm.s32 $0x1580;
	_ =	strace $0x8000004A;
	[dreg:$0x2] =	wrdreg s3  }
0x4: {  	s23 =	simm.s32 $0x100;
	[dreg:$0x3] =	wrdreg s22  }
0x5: {  	s24 =	simm.s32 $0x1600;
	[dreg:$0x4] =	wrdreg s23  }
0x6: {  	s25 =	simm.s32 $0x180;
	[dreg:$0x5] =	wrdreg s24  }
0x7: {  	s26 =	simm.s32 $0x1680;
	[dreg:$0x6] =	wrdreg s25  }
0x8: {  	s28 =	simm.s32 $0x200;
	[dreg:$0x7] =	wrdreg s26  }
0x9: {  	s29 =	simm.s32 $0x1700;
	[dreg:$0x8] =	wrdreg s28  }
0xa: {  	s30 =	simm.s32 $0x280;
	[dreg:$0x9] =	wrdreg s29  }
0xb: {  	s31 =	simm.s32 $0x1780;
	[dreg:$0xa] =	wrdreg s30  }
0xc: {  	s0 =	simm.s32 $0x300;
	[dreg:$0xb] =	wrdreg s31  }
0xd: {  	s4 =	simm.s32 $0x1800;
	[dreg:$0xc] =	wrdreg s0  }
0xe: {  	s5 =	simm.s32 $0x380;
	[dreg:$0xd] =	wrdreg s4  }
0xf: {  	s6 =	simm.s32 $0x1880;
	[dreg:$0xe] =	wrdreg s5  }
0x10: {  	s7 =	simm.s32 $0x1900;
	[dreg:$0xf] =	wrdreg s6  }
0x11: {  	s8 =	simm.s32 $0x480;
	[dreg:$0x10] =	wrdreg s7  }
0x12: {  	s9 =	simm.s32 $0x1980;
	[dreg:$0x11] =	wrdreg s8  }
0x13: {  	s10 =	simm.s32 $0x500;
	[dreg:$0x12] =	wrdreg s9  }
0x14: {  	s11 =	simm.s32 $0x1A00;
	[dreg:$0x13] =	wrdreg s10  }
0x15: {  	s12 =	simm.s32 $0x580;
	[dreg:$0x14] =	wrdreg s11  }
0x16: {  	s13 =	simm.s32 $0x1A80;
	[dreg:$0x15] =	wrdreg s12  }
0x17: {  	s14 =	simm.s32 $0x600;
	[dreg:$0x16] =	wrdreg s13  }
0x18: {  	s15 =	simm.s32 $0x1B00;
	[dreg:$0x17] =	wrdreg s14  }
0x19: {  	s16 =	simm.s32 $0x680;
	[dreg:$0x18] =	wrdreg s15  }
0x1a: {  	s17 =	simm.s32 $0x1B80;
	[dreg:$0x19] =	wrdreg s16  }
0x1b: {  	s18 =	simm.s32 $0x700;
	[dreg:$0x1a] =	wrdreg s17  }
0x1c: {  	s19 =	simm.s32 $0x1C00;
	[dreg:$0x1b] =	wrdreg s18  }
0x1d: {  	s20 =	simm.s32 $0x780;
	[dreg:$0x1c] =	wrdreg s19  }
0x1e: {  	s21 =	simm.s32 $0x1C80;
	[dreg:$0x1d] =	wrdreg s20  }
0x1f: {  	[dreg:$0x1e] =	wrdreg s21;
	s22 =	simm.s32 $0x800  }
0x20: {  	s23 =	simm.s32 $0x1D00;
	[dreg:$0x1f] =	wrdreg s22  }
0x21: {  	s24 =	simm.s32 $0x880;
	[smem:$0x7D8] =	sst s23  }
0x22: {  	s25 =	simm.s32 $0x1D80;
	[smem:$0x7D9] =	sst s24  }
0x23: {  	s26 =	simm.s32 $0x900;
	[smem:$0x7DA] =	sst s25  }
0x24: {  	s28 =	simm.s32 $0x1E00;
	[smem:$0x7DB] =	sst s26  }
0x25: {  	s29 =	simm.s32 $0x980;
	[smem:$0x7DC] =	sst s28  }
0x26: {  	s30 =	simm.s32 $0x1E80;
	[smem:$0x7DD] =	sst s29  }
0x27: {  	s31 =	simm.s32 $0xA00;
	[smem:$0x7DE] =	sst s30  }
0x28: {  	s0 =	simm.s32 $0x1F00;
	[smem:$0x7DF] =	sst s31  }
0x29: {  	s4 =	simm.s32 $0xA80;
	[smem:$0x7E0] =	sst s0  }
0x2a: {  	s5 =	simm.s32 $0x1F80;
	[smem:$0x7E1] =	sst s4  }
0x2b: {  	s6 =	simm.s32 $0xB00;
	[smem:$0x7E2] =	sst s5  }
0x2c: {  	s7 =	simm.s32 $0x2000;
	[smem:$0x7E3] =	sst s6  }
0x2d: {  	s8 =	simm.s32 $0xB80;
	[smem:$0x7E4] =	sst s7  }
0x2e: {  	s9 =	simm.s32 $0x2080;
	[smem:$0x7E5] =	sst s8  }
0x2f: {  	s10 =	simm.s32 $0xC00;
	[smem:$0x7E6] =	sst s9  }
0x30: {  	s11 =	simm.s32 $0x2100;
	[smem:$0x7E7] =	sst s10  }
0x31: {  	s12 =	simm.s32 $0xC80;
	[smem:$0x7E8] =	sst s11  }
0x32: {  	s13 =	simm.s32 $0x2180;
	[smem:$0x7E9] =	sst s12  }
0x33: {  	s14 =	simm.s32 $0xD00;
	[smem:$0x7EA] =	sst s13  }
0x34: {  	s15 =	simm.s32 $0x2200;
	[smem:$0x7EB] =	sst s14  }
0x35: {  	s16 =	simm.s32 $0xD80;
	[smem:$0x7EC] =	sst s15  }
0x36: {  	s17 =	simm.s32 $0x2280;
	s18 =	simm.s32 $0xE00;
	[smem:$0x7ED] =	sst s16  }
0x37: {  	s3 =	sadd.s32 $0x92EA00, s1;
	s19 =	simm.s32 $0xE80;
	[smem:$0x7EE] =	sst s17  }
0x38: {  	s20 =	simm.s32 $0xF00;
	s21 =	simm.s32 $0x2400;
	[smem:$0x7EF] =	sst s18  }
0x39: {  	s4 =	simm.s32 $0x2300;
	s5 =	srdreg.scid;
	[smem:$0x7F1] =	sst s19  }
0x3a: {  	s6 =	simm.s32 $0x2380;
	s0 =	stileid.u32;
	[smem:$0x7F3] =	sst s20  }
0x3b: {  	[smem:$0x7F4] =	sst s21;
	s22 =	simm.s32 $0xF80;
	s23 =	simm.s32 $0x2480  }
0x3c: {  	s24 =	simm.s32 $0x1000;
	s26 =	simm.s32 $0x2500;
	[smem:$0x7F0] =	sst s4  }
0x3d: {  	s28 =	simm.s32 $0x1080;
	s29 =	simm.s32 $0x2580;
	[smem:$0x7F2] =	sst s6  }
0x3e: {  	s30 =	simm.s32 $0x1100;
	s31 =	simm.s32 $0x2600;
	[smem:$0x7F5] =	sst s22  }
0x3f: {  	s11 =	simm.s32 $0x1180;
	s10 =	simm.s32 $0x1500;
	[smem:$0x7F6] =	sst s23  }
0x40: {  	s12 =	simm.s32 $0x1200;
	s13 =	simm.s32 $0x2700;
	[smem:$0x7F7] =	sst s24  }
0x41: {  	s14 =	simm.s32 $0x1280;
	s15 =	simm.s32 $0x2780;
	[smem:$0x7F8] =	sst s26  }
0x42: {  	s16 =	simm.s32 $0x1300;
	s17 =	simm.s32 $0x2800;
	[smem:$0x7F9] =	sst s28  }
0x43: {  	s18 =	simm.s32 $0x1380;
	s19 =	simm.s32 $0x2880;
	[smem:$0x7FA] =	sst s29  }
0x44: {  	s20 =	simm.s32 $0x1400;
	s21 =	simm.s32 $0x2900;
	[smem:$0x7FB] =	sst s30  }
0x45: {  	s5 =	sand.u32 $0x1, s5;
	s25 =	sshll.u32 s0, $0x5;
	[smem:$0x7FC] =	sst s31  }
0x46: {  	[smem:$0x7FD] =	sst s11;
	s11 =	simm.s32 $0x2680;
	s22 =	simm.s32 $0x1480  }
0x47: {  	s23 =	simm.s32 $0x2980;
	s7 =	ssub.s32 $0x2, s5;
	s9 =	sshll.u32 s5, $0x4  }
0x48: {  	s24 =	simm.s32 $0x1;
	s8 =	sshrl.u32 s7, $0x1;
	s6 =	sor.u32 s9, s25  }
0x49: {  	s9 =	simm.s32 $0x2;
	s25 =	simm.s32 $0x0;
	s7 =	ssub.s32 s7, s8  }
0x4a: {  	s8 =	simm.s32 $0x400;
	s5 =	smax.u32 s7, $0x1;
	s7 =	simm.s32 $0x80  }
.LBB2_1:
0x4b: {  	s26 =	smov.u32 s6;
	s28 =	simm.s32 $0x0  }
.LBB2_2:
0x4c: {  	s29 =	sshrl.u32 s26, $0x3  }
0x4d: {  	s29 =	smul.u32 $0xA800, s29  }
0x4e: {  	s30 =	sand.u32 $0x380, s28  }
0x4f: {  	s29 =	sor.u32 s30, s29  }
0x50: {  	s29 =	sshrl.u32 s29, $0x3  }
0x51: {  	s31 =	sadd.s32 s1, s29  }
0x52: {  	[tilespmem:s2], [sflag:$0x2] =	stream.strided.gather [hbm4b:s31+s7], $0x1500, s8, s7, $0x38;
	[tilespmem:$0x2A00] =	vst v63  }
0x53: {  	_ =	swait.ge [sflag:s9], $0x1500  }
0x54: {  	s0 =	rddreg [dreg:$0x3]  }
0x55: {  	[sflag:s9] =	ssyncset.done $0x0;
	s30 =	rddreg [dreg:$0x4]  }
0x56: {  	s31 =	rddreg [dreg:$0x5];
	[sflag:s9] =	ssyncadd.s32 $0xFFFFEB00  }
0x57: {  	[tilespmem:s10], [sflag:$0x1] =	stream.indirect.gather [hbm4b:s3+s7], $0x1, s2, s7, $0xb8;
	[tilespmem:$0x2A00] =	vst v63  }
0x58: {  	s4 =	rddreg [dreg:$0x7]  }
0x59: {  	[tilespmem:s0], [sflag:$0x1] =	stream.indirect.gather [hbm4b:s3+s7], $0x1, s7, s7, $0xb8;
	[tilespmem:$0x2A00] =	vst v63  }
0x5a: {  	s0 =	rddreg [dreg:$0x6]  }
0x5b: {  	[tilespmem:s31], [sflag:$0x1] =	stream.indirect.gather [hbm4b:s3+s7], $0x1, s30, s7, $0xb8;
	[tilespmem:$0x2A00] =	vst v63  }
0x5c: {  	s30 =	rddreg [dreg:$0xa]  }
0x5d: {  	s31 =	rddreg [dreg:$0xb]  }
0x5e: {  	[tilespmem:s4], [sflag:$0x1] =	stream.indirect.gather [hbm4b:s3+s7], $0x1, s0, s7, $0xb8;
	[tilespmem:$0x2A00] =	vst v63  }
0x5f: {  	s0 =	rddreg [dreg:$0x8]  }
0x60: {  	s4 =	rddreg [dreg:$0x9]  }
0x61: {  	[tilespmem:s4], [sflag:$0x1] =	stream.indirect.gather [hbm4b:s3+s7], $0x1, s0, s7, $0xb8;
	[tilespmem:$0x2A00] =	vst v63  }
0x62: {  	s0 =	rddreg [dreg:$0xc]  }
0x63: {  	s4 =	rddreg [dreg:$0xd]  }
0x64: {  	[tilespmem:s31], [sflag:$0x1] =	stream.indirect.gather [hbm4b:s3+s7], $0x1, s30, s7, $0xb8;
	[tilespmem:$0x2A00] =	vst v63  }
0x65: {  	s30 =	rddreg [dreg:$0xe]  }
0x66: {  	s31 =	rddreg [dreg:$0xf]  }
0x67: {  	[tilespmem:s4], [sflag:$0x1] =	stream.indirect.gather [hbm4b:s3+s7], $0x1, s0, s7, $0xb8;
	[tilespmem:$0x2A00] =	vst v63  }
0x68: {  	s4 =	rddreg [dreg:$0x10]  }
0x69: {  	s0 =	rddreg [dreg:$0x11]  }
0x6a: {  	[tilespmem:s31], [sflag:$0x1] =	stream.indirect.gather [hbm4b:s3+s7], $0x1, s30, s7, $0xb8;
	[tilespmem:$0x2A00] =	vst v63  }
0x6b: {  	s30 =	rddreg [dreg:$0x13]  }
0x6c: {  	s31 =	rddreg [dreg:$0x14]  }
0x6d: {  	[tilespmem:s4], [sflag:$0x1] =	stream.indirect.gather [hbm4b:s3+s7], $0x1, s8, s7, $0xb8;
	[tilespmem:$0x2A00] =	vst v63  }
0x6e: {  	s4 =	rddreg [dreg:$0x12]  }
0x6f: {  	[tilespmem:s4], [sflag:$0x1] =	stream.indirect.gather [hbm4b:s3+s7], $0x1, s0, s7, $0xb8;
	[tilespmem:$0x2A00] =	vst v63  }
0x70: {  	s0 =	rddreg [dreg:$0x15]  }
0x71: {  	s4 =	rddreg [dreg:$0x16]  }
0x72: {  	[tilespmem:s31], [sflag:$0x1] =	stream.indirect.gather [hbm4b:s3+s7], $0x1, s30, s7, $0xb8;
	[tilespmem:$0x2A00] =	vst v63  }
0x73: {  	s30 =	rddreg [dreg:$0x17]  }
0x74: {  	s31 =	rddreg [dreg:$0x18]  }
0x75: {  	[tilespmem:s4], [sflag:$0x1] =	stream.indirect.gather [hbm4b:s3+s7], $0x1, s0, s7, $0xb8;
	[tilespmem:$0x2A00] =	vst v63  }
0x76: {  	s0 =	rddreg [dreg:$0x19]  }
0x77: {  	s4 =	rddreg [dreg:$0x1a]  }
0x78: {  	[tilespmem:s31], [sflag:$0x1] =	stream.indirect.gather [hbm4b:s3+s7], $0x1, s30, s7, $0xb8;
	[tilespmem:$0x2A00] =	vst v63  }
0x79: {  	s30 =	rddreg [dreg:$0x1b]  }
0x7a: {  	s31 =	rddreg [dreg:$0x1c]  }
0x7b: {  	[tilespmem:s4], [sflag:$0x1] =	stream.indirect.gather [hbm4b:s3+s7], $0x1, s0, s7, $0xb8;
	[tilespmem:$0x2A00] =	vst v63  }
0x7c: {  	s0 =	rddreg [dreg:$0x1d]  }
0x7d: {  	s4 =	rddreg [dreg:$0x1e]  }
0x7e: {  	[tilespmem:s31], [sflag:$0x1] =	stream.indirect.gather [hbm4b:s3+s7], $0x1, s30, s7, $0xb8;
	[tilespmem:$0x2A00] =	vst v63  }
0x7f: {  	s30 =	rddreg [dreg:$0x1f]  }
0x80: {  	s31 =	sld [smem:$0x7D8]  }
0x81: {  	[tilespmem:s4], [sflag:$0x1] =	stream.indirect.gather [hbm4b:s3+s7], $0x1, s0, s7, $0xb8;
	[tilespmem:$0x2A00] =	vst v63  }
0x82: {  	s0 =	sld [smem:$0x7D9]  }
0x83: {  	s4 =	sld [smem:$0x7DA]  }
0x84: {  	[tilespmem:s31], [sflag:$0x1] =	stream.indirect.gather [hbm4b:s3+s7], $0x1, s30, s7, $0xb8;
	[tilespmem:$0x2A00] =	vst v63  }
0x85: {  	s30 =	sld [smem:$0x7DB]  }
0x86: {  	s31 =	sld [smem:$0x7DC]  }
0x87: {  	[tilespmem:s4], [sflag:$0x1] =	stream.indirect.gather [hbm4b:s3+s7], $0x1, s0, s7, $0xb8;
	[tilespmem:$0x2A00] =	vst v63  }
0x88: {  	s0 =	sld [smem:$0x7DD]  }
0x89: {  	s4 =	sld [smem:$0x7DE]  }
0x8a: {  	[tilespmem:s31], [sflag:$0x1] =	stream.indirect.gather [hbm4b:s3+s7], $0x1, s30, s7, $0xb8;
	[tilespmem:$0x2A00] =	vst v63  }
0x8b: {  	s30 =	sld [smem:$0x7DF]  }
0x8c: {  	s31 =	sld [smem:$0x7E0]  }
0x8d: {  	[tilespmem:s4], [sflag:$0x1] =	stream.indirect.gather [hbm4b:s3+s7], $0x1, s0, s7, $0xb8;
	[tilespmem:$0x2A00] =	vst v63  }
0x8e: {  	s0 =	sld [smem:$0x7E1]  }
0x8f: {  	s4 =	sld [smem:$0x7E2]  }
0x90: {  	[tilespmem:s31], [sflag:$0x1] =	stream.indirect.gather [hbm4b:s3+s7], $0x1, s30, s7, $0xb8;
	[tilespmem:$0x2A00] =	vst v63  }
0x91: {  	s30 =	sld [smem:$0x7E3]  }
0x92: {  	s31 =	sld [smem:$0x7E4]  }
0x93: {  	[tilespmem:s4], [sflag:$0x1] =	stream.indirect.gather [hbm4b:s3+s7], $0x1, s0, s7, $0xb8;
	[tilespmem:$0x2A00] =	vst v63  }
0x94: {  	s0 =	sld [smem:$0x7E5]  }
0x95: {  	s4 =	sld [smem:$0x7E6]  }
0x96: {  	[tilespmem:s31], [sflag:$0x1] =	stream.indirect.gather [hbm4b:s3+s7], $0x1, s30, s7, $0xb8;
	[tilespmem:$0x2A00] =	vst v63  }
0x97: {  	s30 =	sld [smem:$0x7E7]  }
0x98: {  	s31 =	sld [smem:$0x7E8]  }
0x99: {  	[tilespmem:s4], [sflag:$0x1] =	stream.indirect.gather [hbm4b:s3+s7], $0x1, s0, s7, $0xb8;
	[tilespmem:$0x2A00] =	vst v63  }
0x9a: {  	s0 =	sld [smem:$0x7E9]  }
0x9b: {  	s4 =	sld [smem:$0x7EA]  }
0x9c: {  	[tilespmem:s31], [sflag:$0x1] =	stream.indirect.gather [hbm4b:s3+s7], $0x1, s30, s7, $0xb8;
	[tilespmem:$0x2A00] =	vst v63  }
0x9d: {  	s30 =	sld [smem:$0x7EB]  }
0x9e: {  	s31 =	sld [smem:$0x7EC]  }
0x9f: {  	[tilespmem:s4], [sflag:$0x1] =	stream.indirect.gather [hbm4b:s3+s7], $0x1, s0, s7, $0xb8;
	[tilespmem:$0x2A00] =	vst v63  }
0xa0: {  	s0 =	sld [smem:$0x7ED]  }
0xa1: {  	s4 =	sld [smem:$0x7EE]  }
0xa2: {  	[tilespmem:s31], [sflag:$0x1] =	stream.indirect.gather [hbm4b:s3+s7], $0x1, s30, s7, $0xb8;
	[tilespmem:$0x2A00] =	vst v63  }
0xa3: {  	s30 =	sld [smem:$0x7EF]  }
0xa4: {  	s31 =	sld [smem:$0x7F0]  }
0xa5: {  	[tilespmem:s4], [sflag:$0x1] =	stream.indirect.gather [hbm4b:s3+s7], $0x1, s0, s7, $0xb8;
	[tilespmem:$0x2A00] =	vst v63  }
0xa6: {  	s0 =	sld [smem:$0x7F1]  }
0xa7: {  	s4 =	sld [smem:$0x7F2]  }
0xa8: {  	[tilespmem:s31], [sflag:$0x1] =	stream.indirect.gather [hbm4b:s3+s7], $0x1, s30, s7, $0xb8;
	[tilespmem:$0x2A00] =	vst v63  }
0xa9: {  	s30 =	sld [smem:$0x7F3]  }
0xaa: {  	s31 =	sld [smem:$0x7F4]  }
0xab: {  	[tilespmem:s4], [sflag:$0x1] =	stream.indirect.gather [hbm4b:s3+s7], $0x1, s0, s7, $0xb8;
	[tilespmem:$0x2A00] =	vst v63  }
0xac: {  	s0 =	sld [smem:$0x7F5]  }
0xad: {  	s4 =	sld [smem:$0x7F6]  }
0xae: {  	[tilespmem:s31], [sflag:$0x1] =	stream.indirect.gather [hbm4b:s3+s7], $0x1, s30, s7, $0xb8;
	[tilespmem:$0x2A00] =	vst v63  }
0xaf: {  	s30 =	sld [smem:$0x7F7]  }
0xb0: {  	s31 =	sld [smem:$0x7F8]  }
0xb1: {  	[tilespmem:s4], [sflag:$0x1] =	stream.indirect.gather [hbm4b:s3+s7], $0x1, s0, s7, $0xb8;
	[tilespmem:$0x2A00] =	vst v63  }
0xb2: {  	s0 =	sld [smem:$0x7F9]  }
0xb3: {  	s4 =	sld [smem:$0x7FA]  }
0xb4: {  	[tilespmem:s31], [sflag:$0x1] =	stream.indirect.gather [hbm4b:s3+s7], $0x1, s30, s7, $0xb8;
	[tilespmem:$0x2A00] =	vst v63  }
0xb5: {  	s30 =	sld [smem:$0x7FB]  }
0xb6: {  	s31 =	sld [smem:$0x7FC]  }
0xb7: {  	[tilespmem:s4], [sflag:$0x1] =	stream.indirect.gather [hbm4b:s3+s7], $0x1, s0, s7, $0xb8;
	[tilespmem:$0x2A00] =	vst v63  }
0xb8: {  	s4 =	sld [smem:$0x7FD]  }
0xb9: {  	[tilespmem:s31], [sflag:$0x1] =	stream.indirect.gather [hbm4b:s3+s7], $0x1, s30, s7, $0xb8;
	[tilespmem:$0x2A00] =	vst v63  }
0xba: {  	_ = 	snop  }
0xbb: {  	[tilespmem:s11], [sflag:$0x1] =	stream.indirect.gather [hbm4b:s3+s7], $0x1, s4, s7, $0xb8;
	[tilespmem:$0x2A00] =	vst v63  }
0xbc: {  	_ = 	snop  }
0xbd: {  	[tilespmem:s13], [sflag:$0x1] =	stream.indirect.gather [hbm4b:s3+s7], $0x1, s12, s7, $0xb8;
	[tilespmem:$0x2A00] =	vst v63  }
0xbe: {  	_ = 	snop  }
0xbf: {  	[tilespmem:s15], [sflag:$0x1] =	stream.indirect.gather [hbm4b:s3+s7], $0x1, s14, s7, $0xb8;
	[tilespmem:$0x2A00] =	vst v63  }
0xc0: {  	_ = 	snop  }
0xc1: {  	[tilespmem:s17], [sflag:$0x1] =	stream.indirect.gather [hbm4b:s3+s7], $0x1, s16, s7, $0xb8;
	[tilespmem:$0x2A00] =	vst v63  }
0xc2: {  	_ = 	snop  }
0xc3: {  	[tilespmem:s19], [sflag:$0x1] =	stream.indirect.gather [hbm4b:s3+s7], $0x1, s18, s7, $0xb8;
	[tilespmem:$0x2A00] =	vst v63  }
0xc4: {  	_ = 	snop  }
0xc5: {  	[tilespmem:s21], [sflag:$0x1] =	stream.indirect.gather [hbm4b:s3+s7], $0x1, s20, s7, $0xb8;
	[tilespmem:$0x2A00] =	vst v63  }
0xc6: {  	_ = 	snop  }
0xc7: {  	[tilespmem:s23], [sflag:$0x1] =	stream.indirect.gather [hbm4b:s3+s7], $0x1, s22, s7, $0xb8;
	[tilespmem:$0x2A00] =	vst v63  }
0xc8: {  	_ =	swait.ge [sflag:s24], $0x80  }
0xc9: {  	[sflag:s24] =	ssyncset.done $0x0  }
0xca: {  	[sflag:s24] =	ssyncadd.s32 $0xFFFFFF80  }
0xcb: {  	_ =	swait.ge [sflag:s24], $0x80  }
0xcc: {  	[sflag:s24] =	ssyncset.done $0x0  }
0xcd: {  	[sflag:s24] =	ssyncadd.s32 $0xFFFFFF80  }
0xce: {  	_ =	swait.ge [sflag:s24], $0x80  }
0xcf: {  	[sflag:s24] =	ssyncset.done $0x0  }
0xd0: {  	[sflag:s24] =	ssyncadd.s32 $0xFFFFFF80  }
0xd1: {  	_ =	swait.ge [sflag:s24], $0x80  }
0xd2: {  	[sflag:s24] =	ssyncset.done $0x0  }
0xd3: {  	[sflag:s24] =	ssyncadd.s32 $0xFFFFFF80  }
0xd4: {  	_ =	swait.ge [sflag:s24], $0x80  }
0xd5: {  	[sflag:s24] =	ssyncset.done $0x0  }
0xd6: {  	[sflag:s24] =	ssyncadd.s32 $0xFFFFFF80  }
0xd7: {  	_ =	swait.ge [sflag:s24], $0x80  }
0xd8: {  	[sflag:s24] =	ssyncset.done $0x0  }
0xd9: {  	[sflag:s24] =	ssyncadd.s32 $0xFFFFFF80  }
0xda: {  	_ =	swait.ge [sflag:s24], $0x80  }
0xdb: {  	[sflag:s24] =	ssyncset.done $0x0  }
0xdc: {  	[sflag:s24] =	ssyncadd.s32 $0xFFFFFF80  }
0xdd: {  	_ =	swait.ge [sflag:s24], $0x80  }
0xde: {  	[sflag:s24] =	ssyncset.done $0x0  }
0xdf: {  	[sflag:s24] =	ssyncadd.s32 $0xFFFFFF80  }
0xe0: {  	_ =	swait.ge [sflag:s24], $0x80  }
0xe1: {  	[sflag:s24] =	ssyncset.done $0x0  }
0xe2: {  	[sflag:s24] =	ssyncadd.s32 $0xFFFFFF80  }
0xe3: {  	_ =	swait.ge [sflag:s24], $0x80  }
0xe4: {  	[sflag:s24] =	ssyncset.done $0x0  }
0xe5: {  	[sflag:s24] =	ssyncadd.s32 $0xFFFFFF80  }
0xe6: {  	_ =	swait.ge [sflag:s24], $0x80  }
0xe7: {  	[sflag:s24] =	ssyncset.done $0x0  }
0xe8: {  	[sflag:s24] =	ssyncadd.s32 $0xFFFFFF80  }
0xe9: {  	_ =	swait.ge [sflag:s24], $0x80  }
0xea: {  	[sflag:s24] =	ssyncset.done $0x0  }
0xeb: {  	[sflag:s24] =	ssyncadd.s32 $0xFFFFFF80  }
0xec: {  	_ =	swait.ge [sflag:s24], $0x80  }
0xed: {  	[sflag:s24] =	ssyncset.done $0x0  }
0xee: {  	[sflag:s24] =	ssyncadd.s32 $0xFFFFFF80  }
0xef: {  	_ =	swait.ge [sflag:s24], $0x80  }
0xf0: {  	[sflag:s24] =	ssyncset.done $0x0  }
0xf1: {  	[sflag:s24] =	ssyncadd.s32 $0xFFFFFF80  }
0xf2: {  	_ =	swait.ge [sflag:s24], $0x80  }
0xf3: {  	[sflag:s24] =	ssyncset.done $0x0  }
0xf4: {  	[sflag:s24] =	ssyncadd.s32 $0xFFFFFF80  }
0xf5: {  	_ =	swait.ge [sflag:s24], $0x80  }
0xf6: {  	[sflag:s24] =	ssyncset.done $0x0  }
0xf7: {  	[sflag:s24] =	ssyncadd.s32 $0xFFFFFF80  }
0xf8: {  	_ =	swait.ge [sflag:s24], $0x80  }
0xf9: {  	[sflag:s24] =	ssyncset.done $0x0  }
0xfa: {  	[sflag:s24] =	ssyncadd.s32 $0xFFFFFF80  }
0xfb: {  	_ =	swait.ge [sflag:s24], $0x80  }
0xfc: {  	[sflag:s24] =	ssyncset.done $0x0  }
0xfd: {  	[sflag:s24] =	ssyncadd.s32 $0xFFFFFF80  }
0xfe: {  	_ =	swait.ge [sflag:s24], $0x80  }
0xff: {  	[sflag:s24] =	ssyncset.done $0x0  }
0x100: {  	[sflag:s24] =	ssyncadd.s32 $0xFFFFFF80  }
0x101: {  	_ =	swait.ge [sflag:s24], $0x80  }
0x102: {  	[sflag:s24] =	ssyncset.done $0x0  }
0x103: {  	[sflag:s24] =	ssyncadd.s32 $0xFFFFFF80  }
0x104: {  	_ =	swait.ge [sflag:s24], $0x80  }
0x105: {  	[sflag:s24] =	ssyncset.done $0x0  }
0x106: {  	[sflag:s24] =	ssyncadd.s32 $0xFFFFFF80  }
0x107: {  	_ =	swait.ge [sflag:s24], $0x80  }
0x108: {  	[sflag:s24] =	ssyncset.done $0x0  }
0x109: {  	[sflag:s24] =	ssyncadd.s32 $0xFFFFFF80  }
0x10a: {  	_ =	swait.ge [sflag:s24], $0x80  }
0x10b: {  	[sflag:s24] =	ssyncset.done $0x0  }
0x10c: {  	[sflag:s24] =	ssyncadd.s32 $0xFFFFFF80  }
0x10d: {  	_ =	swait.ge [sflag:s24], $0x80  }
0x10e: {  	[sflag:s24] =	ssyncset.done $0x0  }
0x10f: {  	[sflag:s24] =	ssyncadd.s32 $0xFFFFFF80  }
0x110: {  	_ =	swait.ge [sflag:s24], $0x80  }
0x111: {  	[sflag:s24] =	ssyncset.done $0x0  }
0x112: {  	[sflag:s24] =	ssyncadd.s32 $0xFFFFFF80  }
0x113: {  	_ =	swait.ge [sflag:s24], $0x80  }
0x114: {  	[sflag:s24] =	ssyncset.done $0x0  }
0x115: {  	[sflag:s24] =	ssyncadd.s32 $0xFFFFFF80  }
0x116: {  	_ =	swait.ge [sflag:s24], $0x80  }
0x117: {  	[sflag:s24] =	ssyncset.done $0x0  }
0x118: {  	[sflag:s24] =	ssyncadd.s32 $0xFFFFFF80  }
0x119: {  	_ =	swait.ge [sflag:s24], $0x80  }
0x11a: {  	[sflag:s24] =	ssyncset.done $0x0  }
0x11b: {  	[sflag:s24] =	ssyncadd.s32 $0xFFFFFF80  }
0x11c: {  	_ =	swait.ge [sflag:s24], $0x80  }
0x11d: {  	[sflag:s24] =	ssyncset.done $0x0  }
0x11e: {  	[sflag:s24] =	ssyncadd.s32 $0xFFFFFF80  }
0x11f: {  	_ =	swait.ge [sflag:s24], $0x80  }
0x120: {  	[sflag:s24] =	ssyncset.done $0x0  }
0x121: {  	[sflag:s24] =	ssyncadd.s32 $0xFFFFFF80  }
0x122: {  	_ =	swait.ge [sflag:s24], $0x80  }
0x123: {  	[sflag:s24] =	ssyncset.done $0x0  }
0x124: {  	[sflag:s24] =	ssyncadd.s32 $0xFFFFFF80  }
0x125: {  	_ =	swait.ge [sflag:s24], $0x80  }
0x126: {  	[sflag:s24] =	ssyncset.done $0x0  }
0x127: {  	[sflag:s24] =	ssyncadd.s32 $0xFFFFFF80  }
0x128: {  	_ =	swait.ge [sflag:s24], $0x80  }
0x129: {  	[sflag:s24] =	ssyncset.done $0x0  }
0x12a: {  	[sflag:s24] =	ssyncadd.s32 $0xFFFFFF80  }
0x12b: {  	_ =	swait.ge [sflag:s24], $0x80  }
0x12c: {  	[sflag:s24] =	ssyncset.done $0x0  }
0x12d: {  	[sflag:s24] =	ssyncadd.s32 $0xFFFFFF80  }
0x12e: {  	_ =	swait.ge [sflag:s24], $0x80  }
0x12f: {  	[sflag:s24] =	ssyncset.done $0x0  }
0x130: {  	[sflag:s24] =	ssyncadd.s32 $0xFFFFFF80  }
0x131: {  	_ =	swait.ge [sflag:s24], $0x80  }
0x132: {  	[sflag:s24] =	ssyncset.done $0x0  }
0x133: {  	[sflag:s24] =	ssyncadd.s32 $0xFFFFFF80  }
0x134: {  	_ =	swait.ge [sflag:s24], $0x80  }
0x135: {  	[sflag:s24] =	ssyncset.done $0x0  }
0x136: {  	[sflag:s24] =	ssyncadd.s32 $0xFFFFFF80  }
0x137: {  	_ =	swait.ge [sflag:s24], $0x80  }
0x138: {  	[sflag:s24] =	ssyncset.done $0x0  }
0x139: {  	[sflag:s24] =	ssyncadd.s32 $0xFFFFFF80  }
0x13a: {  	_ =	swait.ge [sflag:s24], $0x80  }
0x13b: {  	[sflag:s24] =	ssyncset.done $0x0  }
0x13c: {  	[sflag:s24] =	ssyncadd.s32 $0xFFFFFF80  }
0x13d: {  	_ =	swait.ge [sflag:s24], $0x80  }
0x13e: {  	[sflag:s24] =	ssyncset.done $0x0  }
0x13f: {  	[sflag:s24] =	ssyncadd.s32 $0xFFFFFF80  }
0x140: {  	_ =	swait.ge [sflag:s24], $0x80  }
0x141: {  	[sflag:s24] =	ssyncset.done $0x0  }
0x142: {  	[sflag:s24] =	ssyncadd.s32 $0xFFFFFF80  }
0x143: {  	_ =	swait.ge [sflag:s24], $0x80  }
0x144: {  	p0 =	sne.s32 s28, $0x780;
	s31 =	rddreg [dreg:$0x2];
	[sflag:s24] =	ssyncset.done $0x0  }
.Ltmp0:
0x145: {  	[sflag:s24] =	ssyncadd.s32 $0xFFFFFF80;
	s0 =	sadd.s32 s31, s29;
	(pc) =	sbr.rel @p0 .LBB2_2-.Ltmp0, $4  }
0x146: {  	[hbm4b:s0+s7] =	stream.strided.scatter [tilespmem:s10], [sflag:$0x2], $0x1500, s8, s7, $0x38;
	[tilespmem:$0x2A00] =	vst v63  }
0x147: {  	_ =	swait.ge [sflag:s9], $0x1500  }
0x148: {  	[sflag:s9] =	ssyncset.done $0x0  }
0x149: {  	s26 =	sadd.s32 $0x1, s26;
	s28 =	sadd.s32 $0x80, s28;
	[sflag:s9] =	ssyncadd.s32 $0xFFFFEB00  }
0x14a: {  	s25 =	sadd.s32 $0x1, s25  }
0x14b: {  	p0 =	sne.s32 s25, s5  }
.Ltmp1:
0x14c: {  	_ = 	snop;
	(pc) =	sbr.rel @p0 .LBB2_1-.Ltmp1, $1  }
0x14d: {  	_ =	sdelay $0x3  }
0x14e: {  	_ =	sfence.sel $0x180000  }
0x14f: {  	[bflag:$0x0] =	sbarrier.arrive $0xFFFF  }
0x150: {  	_ =	strace $0x9000004A  }
0x151: {  	s0 =	stileid.u32;
	[bflag:$0x2] =	sbarrier.arrive $0xFFFF  }
0x152: {  	p0 =	sne.s32 s0, $0x0;
	s0 =	rddreg [dreg:$0x1]  }
0x153: {  	s0 =	sadd.s32 @!p0 $0x100000, s0  }
0x154: {  	[sflag:s0] =	ssyncadd.tile.s32 @!p0 $0x1;
	_ =	shalt  }
.Lfunc_end2:
_tile_overlayer_lowered:
.L_overlay_start_2:
0x155: {  	(tag) =	ssettag $0x2  }
0x156: {  	s0 =	rddreg [dreg:$0x0];
	s2 =	stileid.u32  }
0x157: {  	s1 =	rddreg [dreg:$0x1];
	p0 =	sne.s32 s2, $0x0  }
0x158: {  	s3 =	rddreg [dreg:$0x2];
	[bflag:$0x3] =	sbarrier.arrive $0xFFFF;
	s2 =	simm.s32 @!p0 $0x1C02  }
0x159: {  	[timem:s3], [sflag:s2] =	dma.local @!p0 [hbm:s0], s1  }
0x15a: {  	s0 =	simm.s32 @!p0 $0x2  }
0x15b: {  	_ =	swait.ge @!p0 [sflag:s0], s1  }
0x15c: {  	s1 =	ssub.s32 @!p0 $0x0, s1;
	[sflag:s0] =	ssyncset.done @!p0 $0x0  }
0x15d: {  	[sflag:s0] =	ssyncadd.s32 @!p0 s1  }
0x15e: {  	[bflag:$0x3] =	sbarrier.arrive $0xFFFF  }
0x15f: {  	_ =	shalt  }

// kernel: sparse-core-data-format-call.cloned.1.call-start
scs
called_computation_lowered:
.L_overlay_start_0:
0x0: {  	s1 =	sld [smem:$0x3FD9]  }
0x1: {  	s2 =	sld [smem:$0x3FFE];
	_ =	sdelay $0x1  }
0x2: {  	s3 =	srdreg.scid  }
0x3: {  	s0 =	sand.u32 $0x1, s3  }
0x4: {  	s17 =	sshll.u32 s0, $0xA;
	s1 =	sadd.s32 s2, s1  }
0x5: {  	s1 =	sadd.s32 s1, s17  }
0x6: {  	[smem:$0x3FC5] =	sst s1  }
0x7: {  	_ = 	snop  }
0x8: {  	(tm) =	ssettm $0x1  }
0x9: {  	s18 =	sld [smem:$0x3FFB];
	_ =	sdelay $0x3  }
0xa: {  	_ =	strace s18  }
0xb: {  	s1 =	sld [smem:$0x3FFC];
	_ =	sdelay $0x3  }
0xc: {  	_ =	strace s1  }
0xd: {  	s1 =	sld [smem:$0x3FFD];
	_ =	sdelay $0x3  }
0xe: {  	_ =	strace s1  }
0xf: {  	_ =	strace $0x8FFFFFFF  }
0x10: {  	s19 =	sld [smem:$0x3FDB];
	_ =	sdelay $0x1  }
0x11: {  	s20 =	simm.s32 $_scs_section_size  }
0x12: {  	s4 =	simm.s32 $_size__tile_overlayer_lowered;
	s5 =	simm.s32 $_tile_overlayer_lowered  }
0x13: {  	s23 =	simm.s32 $0x1BFF;
	s22 =	sshll.u32 s5, $0x1;
	s1 =	sadd.s32 s20, s19  }
0x14: {  	s6 =	simm.s32 $0x0;
	s21 =	sshll.u32 s4, $0x1;
	s4 =	sadd.s32 s22, s1  }
0x15: {  	[timem:s6], [sflag:s23] =	dma.local [hbm:s4], s21  }
0x16: {  	_ =	swait.ge [sflag:s23], s21  }
0x17: {  	s2 =	ssub.s32 $0x0, s21;
	[sflag:s23] =	ssyncset.done $0x0  }
0x18: {  	[sflag:s23] =	ssyncadd.s32 s2;
	_ =	sdelay $0x1  }
0x19: {  	s24 =	simm.s32 $0x1B8B  }
0x1a: {  	_ =	swait.ge [sflag:s24], $0x1  }
0x1b: {  	[sflag:s24] =	ssyncset.done $0x0  }
0x1c: {  	s26 =	simm.s32 $0x1B8E;
	s25 =	sld [smem:$0x3FFE];
	[sflag:s24] =	ssyncadd.s32 $0xFFFFFFFF  }
0x1d: {  	s27 =	simm.s32 $execute0_lowered;
	[smem:$0x3FD2] =	sst s26  }
0x1e: {  	s4 =	sshll.u32 s27, $0x1;
	_ =	strace $0x80000046;
	[dreg:$0x1] =	wrdreg $0xFFFFFFFF  }
0x1f: {  	s28 =	simm.s32 $_size_execute0_lowered;
	s1 =	sadd.s32 s1, s4;
	[dreg:$0x0] =	wrdreg $0x0  }
0x20: {  	s4 =	sshll.u32 s28, $0x1;
	[dreg:$0x2] =	wrdreg s1  }
0x21: {  	[dreg:$0x3] =	wrdreg s4  }
0x22: {  	[dreg:$0x4] =	wrdreg $0xC0  }
0x23: {  	_ =	task [dreg:s6], $0x5FFFF  }
0x24: {  	[dreg:$0x1] =	wrdreg $0xFFFFFFFF  }
0x25: {  	[dreg:$0x0] =	wrdreg $0x60  }
0x26: {  	[dreg:$0x2] =	wrdreg s25  }
0x27: {  	[dreg:$0x3] =	wrdreg $0x9  }
0x28: {  	_ =	task.clear_ibuf [dreg:s6], $0x4FFFF;
	_ =	strace $0x90000046  }
0x29: {  	s29 =	simm.s32 $0x9;
	_ =	strace $0x80000048  }
0x2a: {  	_ =	swait.ge [sflag:s29], $0x1  }
0x2b: {  	[sflag:s29] =	ssyncadd.s32 $0xFFFFFFFF  }
0x2c: {  	_ =	strace $0x90000048  }
0x2d: {  	_ =	sfence  }
0x2e: {  	s30 =	sld [smem:$0x0];
	_ =	sdelay $0x2  }
0x2f: {  	s31 =	sshll.u32 s3, $0xD;
	s3 =	sshrl.u32 s3, $0x2  }
0x30: {  	s2 =	sand.u32 $0x4000, s31;
	s1 =	sadd.s32 s3, s30  }
0x31: {  	s0 =	sor.u32 s2, s0;
	s1 =	sshll.u32 s1, $0x11  }
0x32: {  	s0 =	sor.u32 s1, s0  }
0x33: {  	s0 =	sadd.s32 $0x8F2B, s0  }
0x34: {  	[sflag:s0] =	ssyncadd.remote.s32 $0x1  }
0x35: {  	_ =	sfence.sel $0xFFFF  }
0x36: {  	[dreg:$0x0] =	wrdreg $0xFFFFFFFF;
	(pc) =	sbr.abs _section_cstart, $3  }
0x37: {  	[dreg:$0x1] =	wrdreg $0xFFFFFFFF  }
0x38: {  	_ =	task.clear_ibuf [dreg:s6], $0x2FFFF;
	_ =	strace $0x9FFFFFFF  }
0x39: {  	(tm) =	ssettm $0x7FFFFFFF  }
tec
execute0_lowered:
.L_overlay_start_1:
0x0: {  	(tag) =	ssettag $0x1  }
0x1: {  	s1 =	rddreg [dreg:$0x0]  }
0x2: {  	s0 =	rddreg [dreg:$0x1]  }
0x3: {  	_ =	strace $0x80000047;
	s4 =	srdreg.scid;
	s6 =	simm.s32 $0x2  }
0x4: {  	s11 =	simm.s32 $0x0;
	p0 =	por $0x0, $0x0;
	s7 =	simm.s32 $0x18800  }
.Ltmp0:
0x5: {  	s12 =	simm.s32 $0x0;
	s9 =	simm.s32 $0x0;
	(pc) =	sbr.rel .LBB1_1-.Ltmp0, $4  }
0x6: {  	s2 =	sadd.s32 $0x30EA00, s1;
	s3 =	sadd.s32 $0x92EA00, s1;
	s5 =	sshll.u32 s4, $0x4  }
0x7: {  	s1 =	stileid.u32;
	s4 =	simm.s32 $0x1;
	s5 =	sand.u32 $0x10, s5  }
0x8: {  	s8 =	simm.s32 $0x0;
	[sflag:s4] =	ssyncpa.u1 $0x0;
	s5 =	sor.u32 s1, s5  }
0x9: {  	[sflag:s6] =	ssyncpa.u1 $0x0;
	s6 =	simm.s32 $0x800;
	s10 =	smov.u32 s5  }
.LBB1_7:
0xa: {  	s13 =	sadd.s32 $0x10, s9  }
0xb: {  	s11 =	sadd.s32 $0x20, s10;
	s15 =	smov.u32 s10;
	p2 =	sgt.s32 s13, $0x30F  }
0xc: {  	p1 =	slt.u32 s8, $0x2;
	s15 =	smov.u32 @p2 s11  }
0xd: {  	s8 =	sadd.s32 $0x1, s8;
	s13 =	simm.s32 @p2 $0x0;
	p2 =	sgt.s32 s15, $0x3F  }
0xe: {  	s15 =	smov.u32 @p2 s5;
	p2 =	sne.s32 s8, $0x64  }
.Ltmp1:
0xf: {  	_ = 	snop;
	(pc) =	sbr.rel @!p2 .LBB1_8-.Ltmp1, $4  }
0x10: {  	s14 =	simm.s32 @!p1 $0x2  }
0x11: {  	s12 =	smov.u32 s10;
	_ =	swait.ge @!p1 [sflag:s14], $0x4000  }
0x12: {  	p0 =	por !p0, !p0;
	s11 =	smov.u32 s9;
	[sflag:s14] =	ssyncset.done @!p1 $0x0  }
0x13: {  	s9 =	smov.u32 s13;
	[sflag:s14] =	ssyncadd.s32 @!p1 $0xFFFFC000;
	s10 =	smov.u32 s15  }
.LBB1_1:
0x14: {  	p1 =	sgt.u32 s8, $0x61  }
0x15: {  	s13 =	smul.u32 @!p1 $0x18800, s10  }
0x16: {  	s14 =	sxor.u32 @!p1 $0xFFFFFFFF, s8  }
0x17: {  	s15 =	sshll.u32 @!p1 s9, $0x7;
	s14 =	sshll.u32 @!p1 s14, $0xE;
	s13 =	sadd.s32 @!p1 s2, s13  }
0x18: {  	s14 =	sand.u32 @!p1 $0x4000, s14;
	s13 =	sadd.s32 @!p1 s15, s13;
	s15 =	simm.s32 @!p1 $0x0  }
0x19: {  	[tilespmem:s14], [sflag:$0x1] =	stream.linear.gather @!p1 [hbm4b:s13+s15], $0x4000, $0x38;
	[tilespmem:$0x10000] =	vst v63  }
0x1a: {  	p1 =	seq.s32 s8, $0x0  }
0x1b: {  	p2 =	seq.s32 @!p1 s8, $0x63  }
0x1c: {  	p1 =	por p1, p2  }
.Ltmp2:
0x1d: {  	_ = 	snop;
	(pc) =	sbr.rel @p1 .LBB1_7-.Ltmp2, $1  }
0x1e: {  	_ =	sdelay $0x3  }
0x1f: {  	s13 =	simm.s32 $0x1;
	_ =	swait.ge [sflag:s4], $0x4000;
	s16 =	sshll.u32 s8, $0xE  }
0x20: {  	s13 =	simm.s32 @!p0 $0x0;
	[sflag:s4] =	ssyncset.done $0x0;
	s31 =	sand.u32 $0x4000, s16  }
0x21: {  	s16 =	simm.s32 $0x0;
	s13 =	sshll.u32 s13, $0xE;
	[sflag:s4] =	ssyncadd.s32 $0xFFFFC000  }
0x22: {  	s14 =	sor.u32 $0x8040, s13;
	s15 =	sor.u32 $0x40, s13;
	s13 =	sor.u32 $0x8000, s31  }
.LBB1_3:
0x23: {  	v0 =	vmov s15;
	_ =	sdelay $0x3  }
0x24: {  	s18 =	simm.s32 $0x0  }
0x25: {  	v6 =	vld.idx.msk [tilespmem:v0+s18+$0x30 ss:$0x1], $0xffff  }
0x26: {  	v7 =	vld.idx.msk [tilespmem:v0+s18+$0xFFFFFFC0 ss:$0x1], $0xffff  }
0x27: {  	v5 =	vld.idx.msk [tilespmem:v0+s18+$0xFFFFFFD0 ss:$0x1], $0xffff  }
0x28: {  	v4 =	vld.idx.msk [tilespmem:v0+s18+$0xFFFFFFE0 ss:$0x1], $0xffff  }
0x29: {  	v3 =	vld.idx.msk [tilespmem:v0+s18+$0xFFFFFFF0 ss:$0x1], $0xffff  }
0x2a: {  	v1 =	vld.idx.msk [tilespmem:v0+s18+$0x0 ss:$0x1], $0xffff  }
0x2b: {  	v2 =	vld.idx.msk [tilespmem:v0+s18+$0x10 ss:$0x1], $0xffff;
	[tilespmem:s14+$0x30] =	vst v6  }
0x2c: {  	s17 =	simm.s32 $0x80;
	s19 =	simm.s32 $0x400;
	[tilespmem:s14+$0xFFFFFFC0] =	vst v7;
	v6 =	vld.idx.msk [tilespmem:v0+s18+$0x20 ss:$0x1], $0xffff;
	s18 =	smov.u32 s14  }
.LBB1_4:
0x2d: {  	p1 =	sne.s32 s19, $0xE00;
	v7 =	vld.idx.msk [tilespmem:v0+s17+$0x30 ss:$0x1], $0xffff;
	[tilespmem:s18+$0xFFFFFFD0] =	vst v5  }
0x2e: {  	v8 =	vld.idx.msk [tilespmem:v0+s17+$0xFFFFFFC0 ss:$0x1], $0xffff;
	[tilespmem:s18+$0xFFFFFFE0] =	vst v4  }
0x2f: {  	v5 =	vld.idx.msk [tilespmem:v0+s17+$0xFFFFFFD0 ss:$0x1], $0xffff;
	[tilespmem:s18+$0xFFFFFFF0] =	vst v3  }
.Ltmp3:
0x30: {  	v4 =	vld.idx.msk [tilespmem:v0+s17+$0xFFFFFFE0 ss:$0x1], $0xffff;
	[tilespmem:s18+$0x0] =	vst v1;
	(pc) =	sbr.rel @p1 .LBB1_4-.Ltmp3, $4  }
0x31: {  	v3 =	vld.idx.msk [tilespmem:v0+s17+$0xFFFFFFF0 ss:$0x1], $0xffff;
	[tilespmem:s18+$0x10] =	vst v2  }
0x32: {  	v1 =	vld.idx.msk [tilespmem:v0+s17+$0x0 ss:$0x1], $0xffff;
	[tilespmem:s18+$0x20] =	vst v6;
	s18 =	sadd.s32 $0x800, s18  }
0x33: {  	v2 =	vld.idx.msk [tilespmem:v0+s17+$0x10 ss:$0x1], $0xffff;
	[tilespmem:s18+$0x30] =	vst v7  }
0x34: {  	[tilespmem:s18+$0xFFFFFFC0] =	vst v8;
	v6 =	vld.idx.msk [tilespmem:v0+s17+$0x20 ss:$0x1], $0xffff;
	s17 =	sshra.s32 s19, $0x2;
	s19 =	sadd.s32 $0x200, s19  }
0x35: {  	_ =	sdelay $0x2  }
0x36: {  	[tilespmem:s18+$0xFFFFFFD0] =	vst v5  }
0x37: {  	v56 =	vld.idx.msk [tilespmem:v0+s17+$0x30 ss:$0x1], $0xffff;
	[tilespmem:s18+$0xFFFFFFE0] =	vst v4  }
0x38: {  	v57 =	vld.idx.msk [tilespmem:v0+s17+$0xFFFFFFC0 ss:$0x1], $0xffff;
	[tilespmem:s18+$0xFFFFFFF0] =	vst v3  }
0x39: {  	v58 =	vld.idx.msk [tilespmem:v0+s17+$0xFFFFFFD0 ss:$0x1], $0xffff;
	[tilespmem:s18+$0x0] =	vst v1  }
0x3a: {  	v59 =	vld.idx.msk [tilespmem:v0+s17+$0xFFFFFFE0 ss:$0x1], $0xffff;
	[tilespmem:s18+$0x10] =	vst v2  }
0x3b: {  	v60 =	vld.idx.msk [tilespmem:v0+s17+$0xFFFFFFF0 ss:$0x1], $0xffff;
	s31 =	sadd.s32 $0x800, s18;
	[tilespmem:s18+$0x20] =	vst v6  }
0x3c: {  	v61 =	vld.idx.msk [tilespmem:v0+s17+$0x0 ss:$0x1], $0xffff;
	[tilespmem:s31+$0x30] =	vst v56  }
0x3d: {  	v62 =	vld.idx.msk [tilespmem:v0+s17+$0x10 ss:$0x1], $0xffff;
	s16 =	sadd.s32 $0x1, s16;
	[tilespmem:s31+$0xFFFFFFC0] =	vst v57  }
0x3e: {  	v63 =	vld.idx.msk [tilespmem:v0+s17+$0x20 ss:$0x1], $0xffff;
	p1 =	sne.s32 s16, $0x10;
	[tilespmem:s31+$0xFFFFFFD0] =	vst v58  }
.Ltmp4:
0x3f: {  	[tilespmem:s31+$0xFFFFFFE0] =	vst v59;
	(pc) =	sbr.rel @p1 .LBB1_3-.Ltmp4, $4  }
0x40: {  	[tilespmem:s31+$0xFFFFFFF0] =	vst v60  }
0x41: {  	[tilespmem:s31+$0x0] =	vst v61  }
0x42: {  	[tilespmem:s31+$0x10] =	vst v62  }
0x43: {  	s14 =	sadd.s32 $0x80, s14;
	s15 =	sadd.s32 $0x400, s15;
	[tilespmem:s31+$0x20] =	vst v63  }
0x44: {  	s11 =	sand.u32 $0x1FFFFFF, s11  }
0x45: {  	s14 =	smulhi.u32 $0x14E5E0B, s11;
	_ =	sdelay $0x1  }
0x46: {  	s12 =	smul.u32 $0x18800, s12;
	s14 =	sshrl.u32 s14, $0x2  }
0x47: {  	s14 =	smul.u32 $0x310, s14  }
.Ltmp5:
0x48: {  	_ = 	snop;
	(pc) =	sbr.rel .LBB1_7-.Ltmp5, $4  }
0x49: {  	s11 =	ssub.s32 s11, s14  }
0x4a: {  	s12 =	sadd.s32 s3, s12;
	s11 =	sshll.u32 s11, $0x4  }
0x4b: {  	s11 =	sadd.s32 s11, s12  }
0x4c: {  	[hbm4b:s11+s6] =	stream.strided.scatter [tilespmem:s13], [sflag:$0x2], $0x4000, s7, s6, $0x38;
	[tilespmem:$0x10000] =	vst v63  }
.LBB1_8:
0x4d: {  	_ =	sfence.sel $0x180000  }
0x4e: {  	s2 =	simm.s32 $0x1;
	[bflag:$0x0] =	sbarrier.arrive $0xFFFF  }
0x4f: {  	s31 =	simm.s32 $0x2;
	[sflag:s2] =	ssyncpa.u1 $0x1  }
0x50: {  	[sflag:s31] =	ssyncpa.u1 $0x1  }
0x51: {  	p0 =	sne.s32 s1, $0x0;
	_ =	strace $0x90000047  }
0x52: {  	s0 =	sadd.s32 @!p0 $0x100000, s0;
	[bflag:$0x2] =	sbarrier.arrive $0xFFFF  }
0x53: {  	[sflag:s0] =	ssyncadd.tile.s32 @!p0 $0x1;
	_ =	shalt  }
.Lfunc_end1:
_tile_overlayer_lowered:
.L_overlay_start_2:
0x54: {  	(tag) =	ssettag $0x2  }
0x55: {  	s0 =	rddreg [dreg:$0x0];
	s2 =	stileid.u32  }
0x56: {  	s1 =	rddreg [dreg:$0x1];
	p0 =	sne.s32 s2, $0x0  }
0x57: {  	s3 =	rddreg [dreg:$0x2];
	[bflag:$0x3] =	sbarrier.arrive $0xFFFF;
	s2 =	simm.s32 @!p0 $0x1C01  }
0x58: {  	[timem:s3], [sflag:s2] =	dma.local @!p0 [hbm:s0], s1  }
0x59: {  	s0 =	simm.s32 @!p0 $0x1  }
0x5a: {  	_ =	swait.ge @!p0 [sflag:s0], s1  }
0x5b: {  	s1 =	ssub.s32 @!p0 $0x0, s1;
	[sflag:s0] =	ssyncset.done @!p0 $0x0  }
0x5c: {  	[sflag:s0] =	ssyncadd.s32 @!p0 s1  }
0x5d: {  	[bflag:$0x3] =	sbarrier.arrive $0xFFFF  }
0x5e: {  	_ =	shalt  }

</sc_bundles>
